<compile_context>
chip_gen: v7x
topology: tpu7x:2x2x1
jax: 0.10.2.dev20260603
libtpu: 0.0.44.dev20260713+nightly
codegen_flags: <defaults>
</compile_context>

<pallas_src>
import functools
import math

import jax
import jax.numpy as jnp
from jax import lax
from jax.experimental import pallas as pl
from jax.experimental.pallas import tpu as pltpu
from jax.experimental.pallas import tpu_sc as plsc

N_F0_BINS = 256
V1_DIM = 768
HIDDEN_DIM = 512
F0_MIN = 50.0
F0_MAX = 1100.0

_MEL_MIN = 1127.0 * math.log(1.0 + F0_MIN / 700.0)
_MEL_MAX = 1127.0 * math.log(1.0 + F0_MAX / 700.0)

_NC = 2
_NS = 16
_NW = _NC * _NS


def _prep_body(emb_ref, w1_ref, b1_ref, w2_ref, b2_ref, table_ref):
    h = jnp.dot(emb_ref[...], w1_ref[...], preferred_element_type=jnp.float32)
    h = h + b1_ref[...]
    h = 0.5 * h * (1.0 + lax.erf(h * (1.0 / math.sqrt(2.0))))
    t = jnp.dot(h, w2_ref[...], preferred_element_type=jnp.float32)
    table_ref[...] = t + b2_ref[...]


def _quantize_bins(f0):
    f0_mel = 1127.0 * jnp.log(1.0 + f0 / 700.0)
    f0_mel = jnp.where(
        f0_mel > 0.0,
        (f0_mel - _MEL_MIN) * (N_F0_BINS - 2) / (_MEL_MAX - _MEL_MIN) + 1.0,
        f0_mel,
    )
    f0_mel = jnp.where(f0_mel <= 1.0, 1.0, f0_mel)
    f0_mel = jnp.where(f0_mel > N_F0_BINS - 1, float(N_F0_BINS - 1), f0_mel)
    return (f0_mel + 0.5).astype(jnp.int32)


_NBUF = 4


def _make_sc_gather(n_rows, d, chunk):
    n_per_w = n_rows // _NW
    n_chunks = n_per_w // chunk
    assert n_chunks % _NBUF == 0
    mesh = plsc.VectorSubcoreMesh(core_axis_name="c", subcore_axis_name="s")

    @functools.partial(
        pl.kernel,
        mesh=mesh,
        out_type=jax.ShapeDtypeStruct((n_rows, d), jnp.float32),
        scratch_types=[
            pltpu.VMEM((n_per_w,), jnp.int32),
            pltpu.VMEM((_NBUF, chunk, d), jnp.float32),
        ]
        + [pltpu.SemaphoreType.DMA] * (2 * _NBUF),
    )
    def gather_kernel(table_hbm, bins_hbm, out_hbm, idx_v, rows_v, *sems):
        gsems, ssems = sems[:_NBUF], sems[_NBUF:]
        wid = lax.axis_index("s") * _NC + lax.axis_index("c")
        base = wid * n_per_w
        pltpu.sync_copy(bins_hbm.at[pl.ds(base, n_per_w)], idx_v)

        def gather_chunk(off, b):
            return pltpu.make_async_copy(
                table_hbm.at[idx_v.at[pl.ds(off, chunk)]],
                rows_v.at[b], gsems[b])

        def store_chunk(off, b):
            return pltpu.make_async_copy(
                rows_v.at[b], out_hbm.at[pl.ds(base + off, chunk)], ssems[b])

        for b in range(_NBUF):
            gather_chunk(b * chunk, b).start()

        def body(j, _):
            for b in range(_NBUF):
                i = j * _NBUF + b
                off = i * chunk
                gather_chunk(off, b).wait()
                store_chunk(off, b).start()
                store_chunk(off, b).wait()

                @pl.when(j + 1 < n_chunks // _NBUF)
                def _():
                    gather_chunk(off + _NBUF * chunk, b).start()

            return 0

        lax.fori_loop(0, n_chunks // _NBUF, body, 0)

    return gather_kernel


_TC_TILE = 2048


def _onehot_body(bins_ref, table_ref, out_ref):
    b = bins_ref[0]
    onehot = (b[:, :, None] == lax.broadcasted_iota(
        jnp.int32, (1, _TC_TILE, N_F0_BINS), 2)).astype(jnp.bfloat16)
    out_ref[0] = jnp.dot(onehot[0], table_ref[...],
                         preferred_element_type=jnp.float32)


def kernel(f0, emb, W1, b1, W2, b2):
    B, T = f0.shape
    d = W2.shape[1]

    table = pl.pallas_call(
        _prep_body,
        out_shape=jax.ShapeDtypeStruct((N_F0_BINS, d), jnp.float32),
    )(emb, W1, b1.reshape(1, -1), W2, b2.reshape(1, -1))
    bins = _quantize_bins(f0)

    n_rows = B * T
    n_sc = 16384
    bins_flat = bins.reshape(n_rows)

    out_sc = _make_sc_gather(n_sc, d, chunk=32)(table, bins_flat[:n_sc])

    nt_all = n_rows // _TC_TILE
    nt_sc = n_sc // _TC_TILE
    nt = nt_all - nt_sc
    table_bf = table.astype(jnp.bfloat16)
    out_full = pl.pallas_call(
        _onehot_body,
        grid=(nt,),
        in_specs=[
            pl.BlockSpec((1, 1, _TC_TILE), lambda i: (i, 0, 0)),
            pl.BlockSpec((N_F0_BINS, d), lambda i: (0, 0)),
        ],
        out_specs=pl.BlockSpec((1, _TC_TILE, d), lambda i: (i + nt_sc, 0, 0)),
        out_shape=jax.ShapeDtypeStruct((nt_all, _TC_TILE, d), jnp.float32),
    )(bins_flat[n_sc:].reshape(nt, 1, _TC_TILE), table_bf)

    out = lax.dynamic_update_slice(out_full.reshape(n_rows, d), out_sc, (0, 0))
    return out.reshape(B, T, d)

# --- scband reference (transcript-rebuilt; emitter-appended) ---
"""Pipeline reference for scband-pretrained-f0-encoder-16518444220971 (READ-ONLY COPY).

The authoritative reference and input builder live on the scoring server;
editing this copy changes nothing except your own understanding.
"""

import jax, jax.numpy as jnp
import numpy as np

N_F0_BINS = 256
V1_DIM = 768
HIDDEN_DIM = 512
F0_MIN = 50.0
F0_MAX = 1100.0


def f0_to_coarse(f0, f0_bin=N_F0_BINS):
    # standard mel-scale F0 quantization (DiffSinger/FastSpeech-style)
    f0_mel_min = 1127.0 * np.log(1.0 + F0_MIN / 700.0)
    f0_mel_max = 1127.0 * np.log(1.0 + F0_MAX / 700.0)
    f0_mel = 1127.0 * jnp.log(1.0 + f0 / 700.0)
    f0_mel = jnp.where(
        f0_mel > 0.0,
        (f0_mel - f0_mel_min) * (f0_bin - 2) / (f0_mel_max - f0_mel_min) + 1.0,
        f0_mel,
    )
    f0_mel = jnp.where(f0_mel <= 1.0, 1.0, f0_mel)
    f0_mel = jnp.where(f0_mel > f0_bin - 1, float(f0_bin - 1), f0_mel)
    f0_coarse = (f0_mel + 0.5).astype(jnp.int32)
    return f0_coarse


def setup_inputs(seed: int = 0):
    key = jax.random.key(seed)
    k1, k2, k3, k4 = jax.random.split(key, 4)
    # f0 in Hz, realistic voiced range [50, 1100)
    f0 = jax.random.uniform(k1, (16, 4096), dtype=jnp.float32, minval=F0_MIN, maxval=F0_MAX)
    # V1 pretrained (frozen) embedding table
    emb = jax.random.normal(k2, (N_F0_BINS, V1_DIM), dtype=jnp.float32)
    # proj: Linear(768->512) -> GELU -> Linear(512->512)
    W1 = jax.random.normal(k3, (V1_DIM, HIDDEN_DIM), dtype=jnp.float32) * (1.0 / np.sqrt(V1_DIM))
    b1 = jnp.zeros((HIDDEN_DIM,), dtype=jnp.float32)
    W2 = jax.random.normal(k4, (HIDDEN_DIM, HIDDEN_DIM), dtype=jnp.float32) * (1.0 / np.sqrt(HIDDEN_DIM))
    b2 = jnp.zeros((HIDDEN_DIM,), dtype=jnp.float32)
    return {"f0": f0, "emb": emb, "W1": W1, "b1": b1, "W2": W2, "b2": b2}


def reference(f0, emb, W1, b1, W2, b2):
    f0_coarse = f0_to_coarse(f0)                      # (B, T) int32 in [1, 255]
    f0_emb = jnp.take(emb, f0_coarse, axis=0)          # (B, T, 768) embedding gather
    h = jax.nn.gelu(f0_emb @ W1 + b1, approximate=False)  # torch nn.GELU default = exact erf
    f0_features = h @ W2 + b2                          # (B, T, 512)
    return f0_features

if __name__ == "__main__":
    import jax
    _d = setup_inputs()
    print(jax.jit(kernel)(*tuple(_d.values())))

</pallas_src>

<mosaic_0001>
#map = affine_map<(d0, d1) -> (0, 0)>
#map1 = affine_map<(d0, d1) -> (0)>
module attributes {stable_mosaic.version = 14 : i64} {
  func.func @gather_kernel(%arg0: i32, %arg1: i32, %arg2: memref<256x512xf32, #tpu.memory_space<hbm>>, %arg3: memref<16384xi32, #tpu.memory_space<hbm>>, %arg4: memref<16384x512xf32, #tpu.memory_space<hbm>>, %arg5: memref<512xi32, #tpu.memory_space<vmem>>, %arg6: memref<4x32x512xf32, #tpu.memory_space<vmem>>, %arg7: memref<!tpu.dma_semaphore, #tpu.memory_space<semaphore_mem>>, %arg8: memref<!tpu.dma_semaphore, #tpu.memory_space<semaphore_mem>>, %arg9: memref<!tpu.dma_semaphore, #tpu.memory_space<semaphore_mem>>, %arg10: memref<!tpu.dma_semaphore, #tpu.memory_space<semaphore_mem>>, %arg11: memref<!tpu.dma_semaphore, #tpu.memory_space<semaphore_mem>>, %arg12: memref<!tpu.dma_semaphore, #tpu.memory_space<semaphore_mem>>, %arg13: memref<!tpu.dma_semaphore, #tpu.memory_space<semaphore_mem>>, %arg14: memref<!tpu.dma_semaphore, #tpu.memory_space<semaphore_mem>>) attributes {dimension_semantics = [#tpu.dimension_semantics<core_parallel>, #tpu.dimension_semantics<subcore_parallel>], iteration_bounds = array<i64: 2, 16>, scalar_prefetch = 0 : i64, scratch_operands = 10 : i64, tpu.core_type = #tpu.core_type<sc_vector_subcore>, window_params = [{transform_indices = #map}, {transform_indices = #map1}, {transform_indices = #map}]} {
    %mul3A = arith.constant 2 : i32
    %mul3A_0 = arith.muli %arg1, %mul3A : i32
    %add3A = arith.addi %mul3A_0, %arg0 : i32
    %mul3A_1 = arith.constant 512 : i32
    %mul3A_2 = arith.muli %add3A, %mul3A_1 : i32
    "tpu.region"() ({
      %run_scoped3A = tpu.sem_alloc : memref<!tpu.dma_semaphore, #tpu.memory_space<semaphore_mem>>
      %dma_start3A_48 = tpu.memref_slice %arg3[%mul3A_2] : memref<16384xi32, #tpu.memory_space<hbm>> -> memref<512xi32, #tpu.memory_space<hbm>>
      %dma_start3A_49 = tpu.memref_slice %arg3[%mul3A_2] : memref<16384xi32, #tpu.memory_space<hbm>> -> memref<512xi32, #tpu.memory_space<hbm>>
      tpu.enqueue_dma source(%dma_start3A_49 : memref<512xi32, #tpu.memory_space<hbm>>) target(%arg5 : memref<512xi32, #tpu.memory_space<vmem>>) target_semaphore(%run_scoped3A : memref<!tpu.dma_semaphore, #tpu.memory_space<semaphore_mem>>)
      %dma_wait3A = tpu.memref_slice %arg3[%mul3A_2] : memref<16384xi32, #tpu.memory_space<hbm>> -> memref<512xi32, #tpu.memory_space<hbm>>
      %dma_wait3A_50 = tpu.memref_slice %arg3[%mul3A_2] : memref<16384xi32, #tpu.memory_space<hbm>> -> memref<512xi32, #tpu.memory_space<hbm>>
      tpu.wait_dma2 semaphore(%run_scoped3A : memref<!tpu.dma_semaphore, #tpu.memory_space<semaphore_mem>>) src(%dma_wait3A_50 : memref<512xi32, #tpu.memory_space<hbm>>) dst(%arg5 : memref<512xi32, #tpu.memory_space<vmem>>)
      tpu.yield
    }) : () -> ()
    %dma_start3A = arith.constant 0 : i32
    %dma_start3A_3 = arith.constant 0 : i32
    %dma_start3A_4 = arith.constant 0 : i32
    %dma_start3A_5 = tpu.memref_slice %arg6[%dma_start3A, %dma_start3A_3, %dma_start3A_4] : memref<4x32x512xf32, #tpu.memory_space<vmem>> -> memref<1x32x512xf32, #tpu.memory_space<vmem>>
    %dma_start3A_6 = tpu.memref_squeeze %dma_start3A_5 : memref<1x32x512xf32, #tpu.memory_space<vmem>> -> memref<32x512xf32, #tpu.memory_space<vmem>>
    %dma_start3A_7 = arith.constant 0 : i32
    %dma_start3A_8 = tpu.memref_slice %arg5[%dma_start3A_7] : memref<512xi32, #tpu.memory_space<vmem>> -> memref<32xi32, #tpu.memory_space<vmem>>
    %dma_start3A_9 = arith.constant 0 : i32
    %dma_start3A_10 = arith.constant 0 : i32
    %dma_start3A_11 = tpu.memref_slice %arg2[%dma_start3A_9, %dma_start3A_10] : memref<256x512xf32, #tpu.memory_space<hbm>> -> memref<256x512xf32, #tpu.memory_space<hbm>>
    tpu.enqueue_indirect_dma source(%dma_start3A_11 : memref<256x512xf32, #tpu.memory_space<hbm>>) target(%dma_start3A_6 : memref<32x512xf32, #tpu.memory_space<vmem>>) offsets(%dma_start3A_8 : memref<32xi32, #tpu.memory_space<vmem>>) semaphore(%arg7 : memref<!tpu.dma_semaphore, #tpu.memory_space<semaphore_mem>>)
    %dma_start3A_12 = arith.constant 1 : i32
    %dma_start3A_13 = arith.constant 0 : i32
    %dma_start3A_14 = arith.constant 0 : i32
    %dma_start3A_15 = tpu.memref_slice %arg6[%dma_start3A_12, %dma_start3A_13, %dma_start3A_14] : memref<4x32x512xf32, #tpu.memory_space<vmem>> -> memref<1x32x512xf32, #tpu.memory_space<vmem>>
    %dma_start3A_16 = tpu.memref_squeeze %dma_start3A_15 : memref<1x32x512xf32, #tpu.memory_space<vmem>> -> memref<32x512xf32, #tpu.memory_space<vmem>>
    %dma_start3A_17 = arith.constant 32 : i32
    %dma_start3A_18 = tpu.memref_slice %arg5[%dma_start3A_17] : memref<512xi32, #tpu.memory_space<vmem>> -> memref<32xi32, #tpu.memory_space<vmem>>
    %dma_start3A_19 = arith.constant 0 : i32
    %dma_start3A_20 = arith.constant 0 : i32
    %dma_start3A_21 = tpu.memref_slice %arg2[%dma_start3A_19, %dma_start3A_20] : memref<256x512xf32, #tpu.memory_space<hbm>> -> memref<256x512xf32, #tpu.memory_space<hbm>>
    tpu.enqueue_indirect_dma source(%dma_start3A_21 : memref<256x512xf32, #tpu.memory_space<hbm>>) target(%dma_start3A_16 : memref<32x512xf32, #tpu.memory_space<vmem>>) offsets(%dma_start3A_18 : memref<32xi32, #tpu.memory_space<vmem>>) semaphore(%arg8 : memref<!tpu.dma_semaphore, #tpu.memory_space<semaphore_mem>>)
    %dma_start3A_22 = arith.constant 2 : i32
    %dma_start3A_23 = arith.constant 0 : i32
    %dma_start3A_24 = arith.constant 0 : i32
    %dma_start3A_25 = tpu.memref_slice %arg6[%dma_start3A_22, %dma_start3A_23, %dma_start3A_24] : memref<4x32x512xf32, #tpu.memory_space<vmem>> -> memref<1x32x512xf32, #tpu.memory_space<vmem>>
    %dma_start3A_26 = tpu.memref_squeeze %dma_start3A_25 : memref<1x32x512xf32, #tpu.memory_space<vmem>> -> memref<32x512xf32, #tpu.memory_space<vmem>>
    %dma_start3A_27 = arith.constant 64 : i32
    %dma_start3A_28 = tpu.memref_slice %arg5[%dma_start3A_27] : memref<512xi32, #tpu.memory_space<vmem>> -> memref<32xi32, #tpu.memory_space<vmem>>
    %dma_start3A_29 = arith.constant 0 : i32
    %dma_start3A_30 = arith.constant 0 : i32
    %dma_start3A_31 = tpu.memref_slice %arg2[%dma_start3A_29, %dma_start3A_30] : memref<256x512xf32, #tpu.memory_space<hbm>> -> memref<256x512xf32, #tpu.memory_space<hbm>>
    tpu.enqueue_indirect_dma source(%dma_start3A_31 : memref<256x512xf32, #tpu.memory_space<hbm>>) target(%dma_start3A_26 : memref<32x512xf32, #tpu.memory_space<vmem>>) offsets(%dma_start3A_28 : memref<32xi32, #tpu.memory_space<vmem>>) semaphore(%arg9 : memref<!tpu.dma_semaphore, #tpu.memory_space<semaphore_mem>>)
    %dma_start3A_32 = arith.constant 3 : i32
    %dma_start3A_33 = arith.constant 0 : i32
    %dma_start3A_34 = arith.constant 0 : i32
    %dma_start3A_35 = tpu.memref_slice %arg6[%dma_start3A_32, %dma_start3A_33, %dma_start3A_34] : memref<4x32x512xf32, #tpu.memory_space<vmem>> -> memref<1x32x512xf32, #tpu.memory_space<vmem>>
    %dma_start3A_36 = tpu.memref_squeeze %dma_start3A_35 : memref<1x32x512xf32, #tpu.memory_space<vmem>> -> memref<32x512xf32, #tpu.memory_space<vmem>>
    %dma_start3A_37 = arith.constant 96 : i32
    %dma_start3A_38 = tpu.memref_slice %arg5[%dma_start3A_37] : memref<512xi32, #tpu.memory_space<vmem>> -> memref<32xi32, #tpu.memory_space<vmem>>
    %dma_start3A_39 = arith.constant 0 : i32
    %dma_start3A_40 = arith.constant 0 : i32
    %dma_start3A_41 = tpu.memref_slice %arg2[%dma_start3A_39, %dma_start3A_40] : memref<256x512xf32, #tpu.memory_space<hbm>> -> memref<256x512xf32, #tpu.memory_space<hbm>>
    tpu.enqueue_indirect_dma source(%dma_start3A_41 : memref<256x512xf32, #tpu.memory_space<hbm>>) target(%dma_start3A_36 : memref<32x512xf32, #tpu.memory_space<vmem>>) offsets(%dma_start3A_38 : memref<32xi32, #tpu.memory_space<vmem>>) semaphore(%arg10 : memref<!tpu.dma_semaphore, #tpu.memory_space<semaphore_mem>>)
    %scan3A = arith.constant 0 : i32
    %scan3A_42 = arith.constant 0 : i32
    %scan3A_43 = arith.constant 4 : i32
    %scan3A_44 = arith.addi %scan3A_42, %scan3A_43 : i32
    %scan3A_45 = arith.constant 1 : i32
    %scan3A_46 = scf.for %scan3A_48 = %scan3A_42 to %scan3A_44 step %scan3A_45 iter_args(%scan3A_49 = %scan3A) -> (i32)  : i32 {
      %mul3A_50 = arith.constant 4 : i32
      %mul3A_51 = arith.muli %scan3A_48, %mul3A_50 : i32
      %add3A_52 = arith.constant 0 : i32
      %add3A_53 = arith.addi %mul3A_51, %add3A_52 : i32
      %mul3A_54 = arith.constant 32 : i32
      %mul3A_55 = arith.muli %add3A_53, %mul3A_54 : i32
      %dma_wait3A = arith.constant 0 : i32
      %dma_wait3A_56 = arith.constant 0 : i32
      %dma_wait3A_57 = arith.constant 0 : i32
      %dma_wait3A_58 = tpu.memref_slice %arg6[%dma_wait3A, %dma_wait3A_56, %dma_wait3A_57] : memref<4x32x512xf32, #tpu.memory_space<vmem>> -> memref<1x32x512xf32, #tpu.memory_space<vmem>>
      %dma_wait3A_59 = tpu.memref_squeeze %dma_wait3A_58 : memref<1x32x512xf32, #tpu.memory_space<vmem>> -> memref<32x512xf32, #tpu.memory_space<vmem>>
      %dma_wait3A_60 = tpu.memref_slice %arg5[%mul3A_55] : memref<512xi32, #tpu.memory_space<vmem>> -> memref<32xi32, #tpu.memory_space<vmem>>
      %dma_wait3A_61 = arith.constant 0 : i32
      %dma_wait3A_62 = arith.constant 0 : i32
      %dma_wait3A_63 = tpu.memref_slice %arg2[%dma_wait3A_61, %dma_wait3A_62] : memref<256x512xf32, #tpu.memory_space<hbm>> -> memref<256x512xf32, #tpu.memory_space<hbm>>
      tpu.wait_indirect_dma semaphore(%arg7 : memref<!tpu.dma_semaphore, #tpu.memory_space<semaphore_mem>>) src(%dma_wait3A_63 : memref<256x512xf32, #tpu.memory_space<hbm>>) dst(%dma_wait3A_59 : memref<32x512xf32, #tpu.memory_space<vmem>>)
      %add3A_64 = arith.addi %mul3A_2, %mul3A_55 : i32
      %dma_start3A_65 = arith.constant 0 : i32
      %dma_start3A_66 = arith.constant 0 : i32
      %dma_start3A_67 = arith.constant 0 : i32
      %dma_start3A_68 = tpu.memref_slice %arg6[%dma_start3A_65, %dma_start3A_66, %dma_start3A_67] : memref<4x32x512xf32, #tpu.memory_space<vmem>> -> memref<1x32x512xf32, #tpu.memory_space<vmem>>
      %dma_start3A_69 = tpu.memref_squeeze %dma_start3A_68 : memref<1x32x512xf32, #tpu.memory_space<vmem>> -> memref<32x512xf32, #tpu.memory_space<vmem>>
      %dma_start3A_70 = arith.constant 0 : i32
      %dma_start3A_71 = tpu.memref_slice %arg4[%add3A_64, %dma_start3A_70] : memref<16384x512xf32, #tpu.memory_space<hbm>> -> memref<32x512xf32, #tpu.memory_space<hbm>>
      %dma_start3A_72 = arith.constant 0 : i32
      %dma_start3A_73 = tpu.memref_slice %arg4[%add3A_64, %dma_start3A_72] : memref<16384x512xf32, #tpu.memory_space<hbm>> -> memref<32x512xf32, #tpu.memory_space<hbm>>
      %dma_start3A_74 = arith.constant 0 : i32
      %dma_start3A_75 = arith.constant 0 : i32
      %dma_start3A_76 = tpu.memref_slice %arg6[%dma_start3A_65, %dma_start3A_74, %dma_start3A_75] : memref<4x32x512xf32, #tpu.memory_space<vmem>> -> memref<1x32x512xf32, #tpu.memory_space<vmem>>
      %dma_start3A_77 = tpu.memref_squeeze %dma_start3A_76 : memref<1x32x512xf32, #tpu.memory_space<vmem>> -> memref<32x512xf32, #tpu.memory_space<vmem>>
      tpu.enqueue_dma source(%dma_start3A_77 : memref<32x512xf32, #tpu.memory_space<vmem>>) target(%dma_start3A_73 : memref<32x512xf32, #tpu.memory_space<hbm>>) target_semaphore(%arg11 : memref<!tpu.dma_semaphore, #tpu.memory_space<semaphore_mem>>)
      %add3A_78 = arith.addi %mul3A_2, %mul3A_55 : i32
      %dma_wait3A_79 = arith.constant 0 : i32
      %dma_wait3A_80 = arith.constant 0 : i32
      %dma_wait3A_81 = arith.constant 0 : i32
      %dma_wait3A_82 = tpu.memref_slice %arg6[%dma_wait3A_79, %dma_wait3A_80, %dma_wait3A_81] : memref<4x32x512xf32, #tpu.memory_space<vmem>> -> memref<1x32x512xf32, #tpu.memory_space<vmem>>
      %dma_wait3A_83 = tpu.memref_squeeze %dma_wait3A_82 : memref<1x32x512xf32, #tpu.memory_space<vmem>> -> memref<32x512xf32, #tpu.memory_space<vmem>>
      %dma_wait3A_84 = arith.constant 0 : i32
      %dma_wait3A_85 = tpu.memref_slice %arg4[%add3A_78, %dma_wait3A_84] : memref<16384x512xf32, #tpu.memory_space<hbm>> -> memref<32x512xf32, #tpu.memory_space<hbm>>
      %dma_wait3A_86 = arith.constant 0 : i32
      %dma_wait3A_87 = tpu.memref_slice %arg4[%add3A_78, %dma_wait3A_86] : memref<16384x512xf32, #tpu.memory_space<hbm>> -> memref<32x512xf32, #tpu.memory_space<hbm>>
      %dma_wait3A_88 = arith.constant 0 : i32
      %dma_wait3A_89 = arith.constant 0 : i32
      %dma_wait3A_90 = tpu.memref_slice %arg6[%dma_wait3A_79, %dma_wait3A_88, %dma_wait3A_89] : memref<4x32x512xf32, #tpu.memory_space<vmem>> -> memref<1x32x512xf32, #tpu.memory_space<vmem>>
      %dma_wait3A_91 = tpu.memref_squeeze %dma_wait3A_90 : memref<1x32x512xf32, #tpu.memory_space<vmem>> -> memref<32x512xf32, #tpu.memory_space<vmem>>
      tpu.wait_dma2 semaphore(%arg11 : memref<!tpu.dma_semaphore, #tpu.memory_space<semaphore_mem>>) src(%dma_wait3A_91 : memref<32x512xf32, #tpu.memory_space<vmem>>) dst(%dma_wait3A_87 : memref<32x512xf32, #tpu.memory_space<hbm>>)
      %add3A_92 = arith.constant 1 : i32
      %add3A_93 = arith.addi %scan3A_48, %add3A_92 : i32
      %lt3A = arith.constant 4 : i32
      %lt3A_94 = arith.cmpi slt, %add3A_93, %lt3A : i32
      %convert_element_type3A = arith.extui %lt3A_94 : i1 to i32
      %cond3A = arith.constant 0 : i32
      %cond3A_95 = arith.cmpi ne, %convert_element_type3A, %cond3A : i32
      scf.if %cond3A_95 {
        %add3A_247 = arith.constant 128 : i32
        %add3A_248 = arith.addi %mul3A_55, %add3A_247 : i32
        %dma_start3A_249 = arith.constant 0 : i32
        %dma_start3A_250 = arith.constant 0 : i32
        %dma_start3A_251 = arith.constant 0 : i32
        %dma_start3A_252 = tpu.memref_slice %arg6[%dma_start3A_249, %dma_start3A_250, %dma_start3A_251] : memref<4x32x512xf32, #tpu.memory_space<vmem>> -> memref<1x32x512xf32, #tpu.memory_space<vmem>>
        %dma_start3A_253 = tpu.memref_squeeze %dma_start3A_252 : memref<1x32x512xf32, #tpu.memory_space<vmem>> -> memref<32x512xf32, #tpu.memory_space<vmem>>
        %dma_start3A_254 = tpu.memref_slice %arg5[%add3A_248] : memref<512xi32, #tpu.memory_space<vmem>> -> memref<32xi32, #tpu.memory_space<vmem>>
        %dma_start3A_255 = arith.constant 0 : i32
        %dma_start3A_256 = arith.constant 0 : i32
        %dma_start3A_257 = tpu.memref_slice %arg2[%dma_start3A_255, %dma_start3A_256] : memref<256x512xf32, #tpu.memory_space<hbm>> -> memref<256x512xf32, #tpu.memory_space<hbm>>
        tpu.enqueue_indirect_dma source(%dma_start3A_257 : memref<256x512xf32, #tpu.memory_space<hbm>>) target(%dma_start3A_253 : memref<32x512xf32, #tpu.memory_space<vmem>>) offsets(%dma_start3A_254 : memref<32xi32, #tpu.memory_space<vmem>>) semaphore(%arg7 : memref<!tpu.dma_semaphore, #tpu.memory_space<semaphore_mem>>)
      } else {
      }
      %mul3A_96 = arith.constant 4 : i32
      %mul3A_97 = arith.muli %scan3A_48, %mul3A_96 : i32
      %add3A_98 = arith.constant 1 : i32
      %add3A_99 = arith.addi %mul3A_97, %add3A_98 : i32
      %mul3A_100 = arith.constant 32 : i32
      %mul3A_101 = arith.muli %add3A_99, %mul3A_100 : i32
      %dma_wait3A_102 = arith.constant 1 : i32
      %dma_wait3A_103 = arith.constant 0 : i32
      %dma_wait3A_104 = arith.constant 0 : i32
      %dma_wait3A_105 = tpu.memref_slice %arg6[%dma_wait3A_102, %dma_wait3A_103, %dma_wait3A_104] : memref<4x32x512xf32, #tpu.memory_space<vmem>> -> memref<1x32x512xf32, #tpu.memory_space<vmem>>
      %dma_wait3A_106 = tpu.memref_squeeze %dma_wait3A_105 : memref<1x32x512xf32, #tpu.memory_space<vmem>> -> memref<32x512xf32, #tpu.memory_space<vmem>>
      %dma_wait3A_107 = tpu.memref_slice %arg5[%mul3A_101] : memref<512xi32, #tpu.memory_space<vmem>> -> memref<32xi32, #tpu.memory_space<vmem>>
      %dma_wait3A_108 = arith.constant 0 : i32
      %dma_wait3A_109 = arith.constant 0 : i32
      %dma_wait3A_110 = tpu.memref_slice %arg2[%dma_wait3A_108, %dma_wait3A_109] : memref<256x512xf32, #tpu.memory_space<hbm>> -> memref<256x512xf32, #tpu.memory_space<hbm>>
      tpu.wait_indirect_dma semaphore(%arg8 : memref<!tpu.dma_semaphore, #tpu.memory_space<semaphore_mem>>) src(%dma_wait3A_110 : memref<256x512xf32, #tpu.memory_space<hbm>>) dst(%dma_wait3A_106 : memref<32x512xf32, #tpu.memory_space<vmem>>)
      %add3A_111 = arith.addi %mul3A_2, %mul3A_101 : i32
      %dma_start3A_112 = arith.constant 1 : i32
      %dma_start3A_113 = arith.constant 0 : i32
      %dma_start3A_114 = arith.constant 0 : i32
      %dma_start3A_115 = tpu.memref_slice %arg6[%dma_start3A_112, %dma_start3A_113, %dma_start3A_114] : memref<4x32x512xf32, #tpu.memory_space<vmem>> -> memref<1x32x512xf32, #tpu.memory_space<vmem>>
      %dma_start3A_116 = tpu.memref_squeeze %dma_start3A_115 : memref<1x32x512xf32, #tpu.memory_space<vmem>> -> memref<32x512xf32, #tpu.memory_space<vmem>>
      %dma_start3A_117 = arith.constant 0 : i32
      %dma_start3A_118 = tpu.memref_slice %arg4[%add3A_111, %dma_start3A_117] : memref<16384x512xf32, #tpu.memory_space<hbm>> -> memref<32x512xf32, #tpu.memory_space<hbm>>
      %dma_start3A_119 = arith.constant 0 : i32
      %dma_start3A_120 = tpu.memref_slice %arg4[%add3A_111, %dma_start3A_119] : memref<16384x512xf32, #tpu.memory_space<hbm>> -> memref<32x512xf32, #tpu.memory_space<hbm>>
      %dma_start3A_121 = arith.constant 0 : i32
      %dma_start3A_122 = arith.constant 0 : i32
      %dma_start3A_123 = tpu.memref_slice %arg6[%dma_start3A_112, %dma_start3A_121, %dma_start3A_122] : memref<4x32x512xf32, #tpu.memory_space<vmem>> -> memref<1x32x512xf32, #tpu.memory_space<vmem>>
      %dma_start3A_124 = tpu.memref_squeeze %dma_start3A_123 : memref<1x32x512xf32, #tpu.memory_space<vmem>> -> memref<32x512xf32, #tpu.memory_space<vmem>>
      tpu.enqueue_dma source(%dma_start3A_124 : memref<32x512xf32, #tpu.memory_space<vmem>>) target(%dma_start3A_120 : memref<32x512xf32, #tpu.memory_space<hbm>>) target_semaphore(%arg12 : memref<!tpu.dma_semaphore, #tpu.memory_space<semaphore_mem>>)
      %add3A_125 = arith.addi %mul3A_2, %mul3A_101 : i32
      %dma_wait3A_126 = arith.constant 1 : i32
      %dma_wait3A_127 = arith.constant 0 : i32
      %dma_wait3A_128 = arith.constant 0 : i32
      %dma_wait3A_129 = tpu.memref_slice %arg6[%dma_wait3A_126, %dma_wait3A_127, %dma_wait3A_128] : memref<4x32x512xf32, #tpu.memory_space<vmem>> -> memref<1x32x512xf32, #tpu.memory_space<vmem>>
      %dma_wait3A_130 = tpu.memref_squeeze %dma_wait3A_129 : memref<1x32x512xf32, #tpu.memory_space<vmem>> -> memref<32x512xf32, #tpu.memory_space<vmem>>
      %dma_wait3A_131 = arith.constant 0 : i32
      %dma_wait3A_132 = tpu.memref_slice %arg4[%add3A_125, %dma_wait3A_131] : memref<16384x512xf32, #tpu.memory_space<hbm>> -> memref<32x512xf32, #tpu.memory_space<hbm>>
      %dma_wait3A_133 = arith.constant 0 : i32
      %dma_wait3A_134 = tpu.memref_slice %arg4[%add3A_125, %dma_wait3A_133] : memref<16384x512xf32, #tpu.memory_space<hbm>> -> memref<32x512xf32, #tpu.memory_space<hbm>>
      %dma_wait3A_135 = arith.constant 0 : i32
      %dma_wait3A_136 = arith.constant 0 : i32
      %dma_wait3A_137 = tpu.memref_slice %arg6[%dma_wait3A_126, %dma_wait3A_135, %dma_wait3A_136] : memref<4x32x512xf32, #tpu.memory_space<vmem>> -> memref<1x32x512xf32, #tpu.memory_space<vmem>>
      %dma_wait3A_138 = tpu.memref_squeeze %dma_wait3A_137 : memref<1x32x512xf32, #tpu.memory_space<vmem>> -> memref<32x512xf32, #tpu.memory_space<vmem>>
      tpu.wait_dma2 semaphore(%arg12 : memref<!tpu.dma_semaphore, #tpu.memory_space<semaphore_mem>>) src(%dma_wait3A_138 : memref<32x512xf32, #tpu.memory_space<vmem>>) dst(%dma_wait3A_134 : memref<32x512xf32, #tpu.memory_space<hbm>>)
      %add3A_139 = arith.constant 1 : i32
      %add3A_140 = arith.addi %scan3A_48, %add3A_139 : i32
      %lt3A_141 = arith.constant 4 : i32
      %lt3A_142 = arith.cmpi slt, %add3A_140, %lt3A_141 : i32
      %convert_element_type3A_143 = arith.extui %lt3A_142 : i1 to i32
      %cond3A_144 = arith.constant 0 : i32
      %cond3A_145 = arith.cmpi ne, %convert_element_type3A_143, %cond3A_144 : i32
      scf.if %cond3A_145 {
        %add3A_247 = arith.constant 128 : i32
        %add3A_248 = arith.addi %mul3A_101, %add3A_247 : i32
        %dma_start3A_249 = arith.constant 1 : i32
        %dma_start3A_250 = arith.constant 0 : i32
        %dma_start3A_251 = arith.constant 0 : i32
        %dma_start3A_252 = tpu.memref_slice %arg6[%dma_start3A_249, %dma_start3A_250, %dma_start3A_251] : memref<4x32x512xf32, #tpu.memory_space<vmem>> -> memref<1x32x512xf32, #tpu.memory_space<vmem>>
        %dma_start3A_253 = tpu.memref_squeeze %dma_start3A_252 : memref<1x32x512xf32, #tpu.memory_space<vmem>> -> memref<32x512xf32, #tpu.memory_space<vmem>>
        %dma_start3A_254 = tpu.memref_slice %arg5[%add3A_248] : memref<512xi32, #tpu.memory_space<vmem>> -> memref<32xi32, #tpu.memory_space<vmem>>
        %dma_start3A_255 = arith.constant 0 : i32
        %dma_start3A_256 = arith.constant 0 : i32
        %dma_start3A_257 = tpu.memref_slice %arg2[%dma_start3A_255, %dma_start3A_256] : memref<256x512xf32, #tpu.memory_space<hbm>> -> memref<256x512xf32, #tpu.memory_space<hbm>>
        tpu.enqueue_indirect_dma source(%dma_start3A_257 : memref<256x512xf32, #tpu.memory_space<hbm>>) target(%dma_start3A_253 : memref<32x512xf32, #tpu.memory_space<vmem>>) offsets(%dma_start3A_254 : memref<32xi32, #tpu.memory_space<vmem>>) semaphore(%arg8 : memref<!tpu.dma_semaphore, #tpu.memory_space<semaphore_mem>>)
      } else {
      }
      %mul3A_146 = arith.constant 4 : i32
      %mul3A_147 = arith.muli %scan3A_48, %mul3A_146 : i32
      %add3A_148 = arith.constant 2 : i32
      %add3A_149 = arith.addi %mul3A_147, %add3A_148 : i32
      %mul3A_150 = arith.constant 32 : i32
      %mul3A_151 = arith.muli %add3A_149, %mul3A_150 : i32
      %dma_wait3A_152 = arith.constant 2 : i32
      %dma_wait3A_153 = arith.constant 0 : i32
      %dma_wait3A_154 = arith.constant 0 : i32
      %dma_wait3A_155 = tpu.memref_slice %arg6[%dma_wait3A_152, %dma_wait3A_153, %dma_wait3A_154] : memref<4x32x512xf32, #tpu.memory_space<vmem>> -> memref<1x32x512xf32, #tpu.memory_space<vmem>>
      %dma_wait3A_156 = tpu.memref_squeeze %dma_wait3A_155 : memref<1x32x512xf32, #tpu.memory_space<vmem>> -> memref<32x512xf32, #tpu.memory_space<vmem>>
      %dma_wait3A_157 = tpu.memref_slice %arg5[%mul3A_151] : memref<512xi32, #tpu.memory_space<vmem>> -> memref<32xi32, #tpu.memory_space<vmem>>
      %dma_wait3A_158 = arith.constant 0 : i32
      %dma_wait3A_159 = arith.constant 0 : i32
      %dma_wait3A_160 = tpu.memref_slice %arg2[%dma_wait3A_158, %dma_wait3A_159] : memref<256x512xf32, #tpu.memory_space<hbm>> -> memref<256x512xf32, #tpu.memory_space<hbm>>
      tpu.wait_indirect_dma semaphore(%arg9 : memref<!tpu.dma_semaphore, #tpu.memory_space<semaphore_mem>>) src(%dma_wait3A_160 : memref<256x512xf32, #tpu.memory_space<hbm>>) dst(%dma_wait3A_156 : memref<32x512xf32, #tpu.memory_space<vmem>>)
      %add3A_161 = arith.addi %mul3A_2, %mul3A_151 : i32
      %dma_start3A_162 = arith.constant 2 : i32
      %dma_start3A_163 = arith.constant 0 : i32
      %dma_start3A_164 = arith.constant 0 : i32
      %dma_start3A_165 = tpu.memref_slice %arg6[%dma_start3A_162, %dma_start3A_163, %dma_start3A_164] : memref<4x32x512xf32, #tpu.memory_space<vmem>> -> memref<1x32x512xf32, #tpu.memory_space<vmem>>
      %dma_start3A_166 = tpu.memref_squeeze %dma_start3A_165 : memref<1x32x512xf32, #tpu.memory_space<vmem>> -> memref<32x512xf32, #tpu.memory_space<vmem>>
      %dma_start3A_167 = arith.constant 0 : i32
      %dma_start3A_168 = tpu.memref_slice %arg4[%add3A_161, %dma_start3A_167] : memref<16384x512xf32, #tpu.memory_space<hbm>> -> memref<32x512xf32, #tpu.memory_space<hbm>>
      %dma_start3A_169 = arith.constant 0 : i32
      %dma_start3A_170 = tpu.memref_slice %arg4[%add3A_161, %dma_start3A_169] : memref<16384x512xf32, #tpu.memory_space<hbm>> -> memref<32x512xf32, #tpu.memory_space<hbm>>
      %dma_start3A_171 = arith.constant 0 : i32
      %dma_start3A_172 = arith.constant 0 : i32
      %dma_start3A_173 = tpu.memref_slice %arg6[%dma_start3A_162, %dma_start3A_171, %dma_start3A_172] : memref<4x32x512xf32, #tpu.memory_space<vmem>> -> memref<1x32x512xf32, #tpu.memory_space<vmem>>
      %dma_start3A_174 = tpu.memref_squeeze %dma_start3A_173 : memref<1x32x512xf32, #tpu.memory_space<vmem>> -> memref<32x512xf32, #tpu.memory_space<vmem>>
      tpu.enqueue_dma source(%dma_start3A_174 : memref<32x512xf32, #tpu.memory_space<vmem>>) target(%dma_start3A_170 : memref<32x512xf32, #tpu.memory_space<hbm>>) target_semaphore(%arg13 : memref<!tpu.dma_semaphore, #tpu.memory_space<semaphore_mem>>)
      %add3A_175 = arith.addi %mul3A_2, %mul3A_151 : i32
      %dma_wait3A_176 = arith.constant 2 : i32
      %dma_wait3A_177 = arith.constant 0 : i32
      %dma_wait3A_178 = arith.constant 0 : i32
      %dma_wait3A_179 = tpu.memref_slice %arg6[%dma_wait3A_176, %dma_wait3A_177, %dma_wait3A_178] : memref<4x32x512xf32, #tpu.memory_space<vmem>> -> memref<1x32x512xf32, #tpu.memory_space<vmem>>
      %dma_wait3A_180 = tpu.memref_squeeze %dma_wait3A_179 : memref<1x32x512xf32, #tpu.memory_space<vmem>> -> memref<32x512xf32, #tpu.memory_space<vmem>>
      %dma_wait3A_181 = arith.constant 0 : i32
      %dma_wait3A_182 = tpu.memref_slice %arg4[%add3A_175, %dma_wait3A_181] : memref<16384x512xf32, #tpu.memory_space<hbm>> -> memref<32x512xf32, #tpu.memory_space<hbm>>
      %dma_wait3A_183 = arith.constant 0 : i32
      %dma_wait3A_184 = tpu.memref_slice %arg4[%add3A_175, %dma_wait3A_183] : memref<16384x512xf32, #tpu.memory_space<hbm>> -> memref<32x512xf32, #tpu.memory_space<hbm>>
      %dma_wait3A_185 = arith.constant 0 : i32
      %dma_wait3A_186 = arith.constant 0 : i32
      %dma_wait3A_187 = tpu.memref_slice %arg6[%dma_wait3A_176, %dma_wait3A_185, %dma_wait3A_186] : memref<4x32x512xf32, #tpu.memory_space<vmem>> -> memref<1x32x512xf32, #tpu.memory_space<vmem>>
      %dma_wait3A_188 = tpu.memref_squeeze %dma_wait3A_187 : memref<1x32x512xf32, #tpu.memory_space<vmem>> -> memref<32x512xf32, #tpu.memory_space<vmem>>
      tpu.wait_dma2 semaphore(%arg13 : memref<!tpu.dma_semaphore, #tpu.memory_space<semaphore_mem>>) src(%dma_wait3A_188 : memref<32x512xf32, #tpu.memory_space<vmem>>) dst(%dma_wait3A_184 : memref<32x512xf32, #tpu.memory_space<hbm>>)
      %add3A_189 = arith.constant 1 : i32
      %add3A_190 = arith.addi %scan3A_48, %add3A_189 : i32
      %lt3A_191 = arith.constant 4 : i32
      %lt3A_192 = arith.cmpi slt, %add3A_190, %lt3A_191 : i32
      %convert_element_type3A_193 = arith.extui %lt3A_192 : i1 to i32
      %cond3A_194 = arith.constant 0 : i32
      %cond3A_195 = arith.cmpi ne, %convert_element_type3A_193, %cond3A_194 : i32
      scf.if %cond3A_195 {
        %add3A_247 = arith.constant 128 : i32
        %add3A_248 = arith.addi %mul3A_151, %add3A_247 : i32
        %dma_start3A_249 = arith.constant 2 : i32
        %dma_start3A_250 = arith.constant 0 : i32
        %dma_start3A_251 = arith.constant 0 : i32
        %dma_start3A_252 = tpu.memref_slice %arg6[%dma_start3A_249, %dma_start3A_250, %dma_start3A_251] : memref<4x32x512xf32, #tpu.memory_space<vmem>> -> memref<1x32x512xf32, #tpu.memory_space<vmem>>
        %dma_start3A_253 = tpu.memref_squeeze %dma_start3A_252 : memref<1x32x512xf32, #tpu.memory_space<vmem>> -> memref<32x512xf32, #tpu.memory_space<vmem>>
        %dma_start3A_254 = tpu.memref_slice %arg5[%add3A_248] : memref<512xi32, #tpu.memory_space<vmem>> -> memref<32xi32, #tpu.memory_space<vmem>>
        %dma_start3A_255 = arith.constant 0 : i32
        %dma_start3A_256 = arith.constant 0 : i32
        %dma_start3A_257 = tpu.memref_slice %arg2[%dma_start3A_255, %dma_start3A_256] : memref<256x512xf32, #tpu.memory_space<hbm>> -> memref<256x512xf32, #tpu.memory_space<hbm>>
        tpu.enqueue_indirect_dma source(%dma_start3A_257 : memref<256x512xf32, #tpu.memory_space<hbm>>) target(%dma_start3A_253 : memref<32x512xf32, #tpu.memory_space<vmem>>) offsets(%dma_start3A_254 : memref<32xi32, #tpu.memory_space<vmem>>) semaphore(%arg9 : memref<!tpu.dma_semaphore, #tpu.memory_space<semaphore_mem>>)
      } else {
      }
      %mul3A_196 = arith.constant 4 : i32
      %mul3A_197 = arith.muli %scan3A_48, %mul3A_196 : i32
      %add3A_198 = arith.constant 3 : i32
      %add3A_199 = arith.addi %mul3A_197, %add3A_198 : i32
      %mul3A_200 = arith.constant 32 : i32
      %mul3A_201 = arith.muli %add3A_199, %mul3A_200 : i32
      %dma_wait3A_202 = arith.constant 3 : i32
      %dma_wait3A_203 = arith.constant 0 : i32
      %dma_wait3A_204 = arith.constant 0 : i32
      %dma_wait3A_205 = tpu.memref_slice %arg6[%dma_wait3A_202, %dma_wait3A_203, %dma_wait3A_204] : memref<4x32x512xf32, #tpu.memory_space<vmem>> -> memref<1x32x512xf32, #tpu.memory_space<vmem>>
      %dma_wait3A_206 = tpu.memref_squeeze %dma_wait3A_205 : memref<1x32x512xf32, #tpu.memory_space<vmem>> -> memref<32x512xf32, #tpu.memory_space<vmem>>
      %dma_wait3A_207 = tpu.memref_slice %arg5[%mul3A_201] : memref<512xi32, #tpu.memory_space<vmem>> -> memref<32xi32, #tpu.memory_space<vmem>>
      %dma_wait3A_208 = arith.constant 0 : i32
      %dma_wait3A_209 = arith.constant 0 : i32
      %dma_wait3A_210 = tpu.memref_slice %arg2[%dma_wait3A_208, %dma_wait3A_209] : memref<256x512xf32, #tpu.memory_space<hbm>> -> memref<256x512xf32, #tpu.memory_space<hbm>>
      tpu.wait_indirect_dma semaphore(%arg10 : memref<!tpu.dma_semaphore, #tpu.memory_space<semaphore_mem>>) src(%dma_wait3A_210 : memref<256x512xf32, #tpu.memory_space<hbm>>) dst(%dma_wait3A_206 : memref<32x512xf32, #tpu.memory_space<vmem>>)
      %add3A_211 = arith.addi %mul3A_2, %mul3A_201 : i32
      %dma_start3A_212 = arith.constant 3 : i32
      %dma_start3A_213 = arith.constant 0 : i32
      %dma_start3A_214 = arith.constant 0 : i32
      %dma_start3A_215 = tpu.memref_slice %arg6[%dma_start3A_212, %dma_start3A_213, %dma_start3A_214] : memref<4x32x512xf32, #tpu.memory_space<vmem>> -> memref<1x32x512xf32, #tpu.memory_space<vmem>>
      %dma_start3A_216 = tpu.memref_squeeze %dma_start3A_215 : memref<1x32x512xf32, #tpu.memory_space<vmem>> -> memref<32x512xf32, #tpu.memory_space<vmem>>
      %dma_start3A_217 = arith.constant 0 : i32
      %dma_start3A_218 = tpu.memref_slice %arg4[%add3A_211, %dma_start3A_217] : memref<16384x512xf32, #tpu.memory_space<hbm>> -> memref<32x512xf32, #tpu.memory_space<hbm>>
      %dma_start3A_219 = arith.constant 0 : i32
      %dma_start3A_220 = tpu.memref_slice %arg4[%add3A_211, %dma_start3A_219] : memref<16384x512xf32, #tpu.memory_space<hbm>> -> memref<32x512xf32, #tpu.memory_space<hbm>>
      %dma_start3A_221 = arith.constant 0 : i32
      %dma_start3A_222 = arith.constant 0 : i32
      %dma_start3A_223 = tpu.memref_slice %arg6[%dma_start3A_212, %dma_start3A_221, %dma_start3A_222] : memref<4x32x512xf32, #tpu.memory_space<vmem>> -> memref<1x32x512xf32, #tpu.memory_space<vmem>>
      %dma_start3A_224 = tpu.memref_squeeze %dma_start3A_223 : memref<1x32x512xf32, #tpu.memory_space<vmem>> -> memref<32x512xf32, #tpu.memory_space<vmem>>
      tpu.enqueue_dma source(%dma_start3A_224 : memref<32x512xf32, #tpu.memory_space<vmem>>) target(%dma_start3A_220 : memref<32x512xf32, #tpu.memory_space<hbm>>) target_semaphore(%arg14 : memref<!tpu.dma_semaphore, #tpu.memory_space<semaphore_mem>>)
      %add3A_225 = arith.addi %mul3A_2, %mul3A_201 : i32
      %dma_wait3A_226 = arith.constant 3 : i32
      %dma_wait3A_227 = arith.constant 0 : i32
      %dma_wait3A_228 = arith.constant 0 : i32
      %dma_wait3A_229 = tpu.memref_slice %arg6[%dma_wait3A_226, %dma_wait3A_227, %dma_wait3A_228] : memref<4x32x512xf32, #tpu.memory_space<vmem>> -> memref<1x32x512xf32, #tpu.memory_space<vmem>>
      %dma_wait3A_230 = tpu.memref_squeeze %dma_wait3A_229 : memref<1x32x512xf32, #tpu.memory_space<vmem>> -> memref<32x512xf32, #tpu.memory_space<vmem>>
      %dma_wait3A_231 = arith.constant 0 : i32
      %dma_wait3A_232 = tpu.memref_slice %arg4[%add3A_225, %dma_wait3A_231] : memref<16384x512xf32, #tpu.memory_space<hbm>> -> memref<32x512xf32, #tpu.memory_space<hbm>>
      %dma_wait3A_233 = arith.constant 0 : i32
      %dma_wait3A_234 = tpu.memref_slice %arg4[%add3A_225, %dma_wait3A_233] : memref<16384x512xf32, #tpu.memory_space<hbm>> -> memref<32x512xf32, #tpu.memory_space<hbm>>
      %dma_wait3A_235 = arith.constant 0 : i32
      %dma_wait3A_236 = arith.constant 0 : i32
      %dma_wait3A_237 = tpu.memref_slice %arg6[%dma_wait3A_226, %dma_wait3A_235, %dma_wait3A_236] : memref<4x32x512xf32, #tpu.memory_space<vmem>> -> memref<1x32x512xf32, #tpu.memory_space<vmem>>
      %dma_wait3A_238 = tpu.memref_squeeze %dma_wait3A_237 : memref<1x32x512xf32, #tpu.memory_space<vmem>> -> memref<32x512xf32, #tpu.memory_space<vmem>>
      tpu.wait_dma2 semaphore(%arg14 : memref<!tpu.dma_semaphore, #tpu.memory_space<semaphore_mem>>) src(%dma_wait3A_238 : memref<32x512xf32, #tpu.memory_space<vmem>>) dst(%dma_wait3A_234 : memref<32x512xf32, #tpu.memory_space<hbm>>)
      %add3A_239 = arith.constant 1 : i32
      %add3A_240 = arith.addi %scan3A_48, %add3A_239 : i32
      %lt3A_241 = arith.constant 4 : i32
      %lt3A_242 = arith.cmpi slt, %add3A_240, %lt3A_241 : i32
      %convert_element_type3A_243 = arith.extui %lt3A_242 : i1 to i32
      %cond3A_244 = arith.constant 0 : i32
      %cond3A_245 = arith.cmpi ne, %convert_element_type3A_243, %cond3A_244 : i32
      scf.if %cond3A_245 {
        %add3A_247 = arith.constant 128 : i32
        %add3A_248 = arith.addi %mul3A_201, %add3A_247 : i32
        %dma_start3A_249 = arith.constant 3 : i32
        %dma_start3A_250 = arith.constant 0 : i32
        %dma_start3A_251 = arith.constant 0 : i32
        %dma_start3A_252 = tpu.memref_slice %arg6[%dma_start3A_249, %dma_start3A_250, %dma_start3A_251] : memref<4x32x512xf32, #tpu.memory_space<vmem>> -> memref<1x32x512xf32, #tpu.memory_space<vmem>>
        %dma_start3A_253 = tpu.memref_squeeze %dma_start3A_252 : memref<1x32x512xf32, #tpu.memory_space<vmem>> -> memref<32x512xf32, #tpu.memory_space<vmem>>
        %dma_start3A_254 = tpu.memref_slice %arg5[%add3A_248] : memref<512xi32, #tpu.memory_space<vmem>> -> memref<32xi32, #tpu.memory_space<vmem>>
        %dma_start3A_255 = arith.constant 0 : i32
        %dma_start3A_256 = arith.constant 0 : i32
        %dma_start3A_257 = tpu.memref_slice %arg2[%dma_start3A_255, %dma_start3A_256] : memref<256x512xf32, #tpu.memory_space<hbm>> -> memref<256x512xf32, #tpu.memory_space<hbm>>
        tpu.enqueue_indirect_dma source(%dma_start3A_257 : memref<256x512xf32, #tpu.memory_space<hbm>>) target(%dma_start3A_253 : memref<32x512xf32, #tpu.memory_space<vmem>>) offsets(%dma_start3A_254 : memref<32xi32, #tpu.memory_space<vmem>>) semaphore(%arg10 : memref<!tpu.dma_semaphore, #tpu.memory_space<semaphore_mem>>)
      } else {
      }
      %scan3A_246 = arith.constant 0 : i32
      scf.yield %scan3A_246 : i32
    }
    %scan3A_47 = arith.constant 4 : i32
    return
  }
}

module attributes {stable_mosaic.version = 14 : i64} {
  func.func @_prep_body(%arg0: memref<256x768xf32, #tpu.memory_space<vmem>>, %arg1: memref<768x512xf32, #tpu.memory_space<vmem>>, %arg2: memref<1x512xf32, #tpu.memory_space<vmem>>, %arg3: memref<512x512xf32, #tpu.memory_space<vmem>>, %arg4: memref<1x512xf32, #tpu.memory_space<vmem>>, %arg5: memref<256x512xf32, #tpu.memory_space<vmem>>) attributes {dimension_semantics = [], scalar_prefetch = 0 : i64, scratch_operands = 0 : i64, tpu.core_type = #tpu.core_type<tc>} {
    %get3A = arith.constant 0 : index
    %get3A_0 = arith.constant 0 : index
    %get3A_1 = vector.load %arg0[%get3A, %get3A_0] : memref<256x768xf32, #tpu.memory_space<vmem>>, vector<256x768xf32>
    %get3A_2 = arith.constant 0 : index
    %get3A_3 = arith.constant 0 : index
    %get3A_4 = vector.load %arg1[%get3A_2, %get3A_3] : memref<768x512xf32, #tpu.memory_space<vmem>>, vector<768x512xf32>
    %dot_general3A = arith.constant dense<0.000000e+00> : vector<256x512xf32>
    %dot_general3A_5 = tpu.matmul %get3A_1, %get3A_4, %dot_general3A {dimension_numbers = #tpu.dot_dimension_numbers<[1], [0], [0], [1], [0, 0, 1, 1], [], []>, transpose_lhs_hint = false} : vector<256x768xf32>, vector<768x512xf32>, vector<256x512xf32> -> vector<256x512xf32>
    %get3A_6 = arith.constant 0 : index
    %get3A_7 = arith.constant 0 : index
    %get3A_8 = vector.load %arg2[%get3A_6, %get3A_7] : memref<1x512xf32, #tpu.memory_space<vmem>>, vector<1x512xf32>
    %add3A = vector.broadcast %get3A_8 : vector<1x512xf32> to vector<256x512xf32>
    %add3A_9 = arith.addf %dot_general3A_5, %add3A : vector<256x512xf32>
    %mul3A = arith.constant 5.000000e-01 : f32
    %mul3A_10 = vector.broadcast %mul3A : f32 to vector<256x512xf32>
    %mul3A_11 = arith.mulf %mul3A_10, %add3A_9 : vector<256x512xf32>
    %mul3A_12 = arith.constant 0.707106769 : f32
    %mul3A_13 = vector.broadcast %mul3A_12 : f32 to vector<256x512xf32>
    %mul3A_14 = arith.mulf %add3A_9, %mul3A_13 : vector<256x512xf32>
    %erf3A = math.erf %mul3A_14 : vector<256x512xf32>
    %add3A_15 = arith.constant 1.000000e+00 : f32
    %add3A_16 = vector.broadcast %add3A_15 : f32 to vector<256x512xf32>
    %add3A_17 = arith.addf %add3A_16, %erf3A : vector<256x512xf32>
    %mul3A_18 = arith.mulf %mul3A_11, %add3A_17 : vector<256x512xf32>
    %get3A_19 = arith.constant 0 : index
    %get3A_20 = arith.constant 0 : index
    %get3A_21 = vector.load %arg3[%get3A_19, %get3A_20] : memref<512x512xf32, #tpu.memory_space<vmem>>, vector<512x512xf32>
    %dot_general3A_22 = arith.constant dense<0.000000e+00> : vector<256x512xf32>
    %dot_general3A_23 = tpu.matmul %mul3A_18, %get3A_21, %dot_general3A_22 {dimension_numbers = #tpu.dot_dimension_numbers<[1], [0], [0], [1], [0, 0, 1, 1], [], []>, transpose_lhs_hint = false} : vector<256x512xf32>, vector<512x512xf32>, vector<256x512xf32> -> vector<256x512xf32>
    %get3A_24 = arith.constant 0 : index
    %get3A_25 = arith.constant 0 : index
    %get3A_26 = vector.load %arg4[%get3A_24, %get3A_25] : memref<1x512xf32, #tpu.memory_space<vmem>>, vector<1x512xf32>
    %add3A_27 = vector.broadcast %get3A_26 : vector<1x512xf32> to vector<256x512xf32>
    %add3A_28 = arith.addf %dot_general3A_23, %add3A_27 : vector<256x512xf32>
    %swap3A = arith.constant 0 : index
    %swap3A_29 = arith.constant 0 : index
    %swap3A_30 = vector.load %arg5[%swap3A, %swap3A_29] : memref<256x512xf32, #tpu.memory_space<vmem>>, vector<256x512xf32>
    tpu.vector_store %arg5[%swap3A, %swap3A_29], %add3A_28 {strides = array<i32>} : memref<256x512xf32, #tpu.memory_space<vmem>>, vector<256x512xf32>,
    return
  }
}

module attributes {stable_mosaic.version = 14 : i64} {
  func.func @_onehot_body(%arg0: i32, %arg1: memref<1x1x2048xi32, #tpu.memory_space<vmem>>, %arg2: memref<256x512xbf16, #tpu.memory_space<vmem>>, %arg3: memref<1x2048x512xf32, #tpu.memory_space<vmem>>) attributes {dimension_semantics = [#tpu.dimension_semantics<arbitrary>], iteration_bounds = array<i64: 24>, scalar_prefetch = 0 : i64, scratch_operands = 0 : i64, tpu.core_type = #tpu.core_type<tc>, window_params = [{transform_indices = @transform_0, window_bounds = array<i64: 1, 1, 2048>}, {pipeline_mode = #tpu.pipeline_mode<synchronous>, transform_indices = @transform_1, window_bounds = array<i64: 256, 512>}, {transform_indices = @transform_2, window_bounds = array<i64: 1, 2048, 512>}]} {
    %get3A = arith.constant 0 : index
    %get3A_0 = arith.constant 0 : index
    %get3A_1 = arith.constant 0 : index
    %get3A_2 = vector.load %arg1[%get3A, %get3A_0, %get3A_1] : memref<1x1x2048xi32, #tpu.memory_space<vmem>>, vector<1x1x2048xi32>
    %get3A_3 = vector.shape_cast %get3A_2 : vector<1x1x2048xi32> to vector<1x2048xi32>
    %broadcast_in_dim3A = vector.shape_cast %get3A_3 : vector<1x2048xi32> to vector<1x2048x1xi32>
    %iota3A = tpu.iota {dimensions = array<i32: 2>} : vector<1x2048x256xi32>
    %eq3A = vector.broadcast %broadcast_in_dim3A : vector<1x2048x1xi32> to vector<1x2048x256xi32>
    %eq3A_4 = arith.cmpi eq, %eq3A, %iota3A : vector<1x2048x256xi32>
    %convert_element_type3A = arith.extui %eq3A_4 : vector<1x2048x256xi1> to vector<1x2048x256xi32>
    %convert_element_type3A_5 = arith.sitofp %convert_element_type3A : vector<1x2048x256xi32> to vector<1x2048x256xf32>
    %convert_element_type3A_6 = arith.truncf %convert_element_type3A_5 : vector<1x2048x256xf32> to vector<1x2048x256xbf16>
    %squeeze3A = vector.shape_cast %convert_element_type3A_6 : vector<1x2048x256xbf16> to vector<2048x256xbf16>
    %get3A_7 = arith.constant 0 : index
    %get3A_8 = arith.constant 0 : index
    %get3A_9 = vector.load %arg2[%get3A_7, %get3A_8] : memref<256x512xbf16, #tpu.memory_space<vmem>>, vector<256x512xbf16>
    %dot_general3A = arith.constant dense<0.000000e+00> : vector<2048x512xf32>
    %dot_general3A_10 = tpu.matmul %squeeze3A, %get3A_9, %dot_general3A {dimension_numbers = #tpu.dot_dimension_numbers<[1], [0], [0], [1], [0, 0, 1, 1], [], []>, transpose_lhs_hint = false} : vector<2048x256xbf16>, vector<256x512xbf16>, vector<2048x512xf32> -> vector<2048x512xf32>
    %swap3A = arith.constant 0 : index
    %swap3A_11 = arith.constant 0 : index
    %swap3A_12 = arith.constant 0 : index
    %swap3A_13 = vector.load %arg3[%swap3A, %swap3A_11, %swap3A_12] : memref<1x2048x512xf32, #tpu.memory_space<vmem>>, vector<1x2048x512xf32>
    %swap3A_14 = vector.shape_cast %swap3A_13 : vector<1x2048x512xf32> to vector<2048x512xf32>
    %swap3A_15 = vector.shape_cast %dot_general3A_10 : vector<2048x512xf32> to vector<1x2048x512xf32>
    tpu.vector_store %arg3[%swap3A, %swap3A_11, %swap3A_12], %swap3A_15 {strides = array<i32>} : memref<1x2048x512xf32, #tpu.memory_space<vmem>>, vector<1x2048x512xf32>,
    return
  }
  func.func @transform_0(%arg0: i32) -> (i32, i32, i32) {
    %c0_i32 = arith.constant 0 : i32
    %c0_i32_0 = arith.constant 0 : i32
    %c0_i32_1 = arith.constant 0 : i32
    return %arg0, %c0_i32, %c0_i32_0 : i32, i32, i32
  }
  func.func @transform_1(%arg0: i32) -> (i32, i32) {
    %c0_i32 = arith.constant 0 : i32
    %c0_i32_0 = arith.constant 0 : i32
    %c0_i32_1 = arith.constant 0 : i32
    return %c0_i32, %c0_i32_0 : i32, i32
  }
  func.func @transform_2(%arg0: i32) -> (i32, i32, i32) {
    %add3A = arith.constant 8 : i32
    %add3A_0 = arith.addi %arg0, %add3A : i32
    %c0_i32 = arith.constant 0 : i32
    %c0_i32_1 = arith.constant 0 : i32
    %c0_i32_2 = arith.constant 0 : i32
    return %add3A_0, %c0_i32, %c0_i32_1 : i32, i32, i32
  }
}

</mosaic_0001>

<sc_bundles>
// kernel: kernel.5.cloned.1.call-start
scs
__scs_entry_jumppad:
0x0: {  	(pc) =	sbr.rel $0x88, $3  }
0x1: {  	(tag) =	ssettag $0x0;
	lr =	simm.s32 $0x1  }
0x2: {  	[smem:$0x3F9B] =	sst lr;
	_ =	strace $0xD0000000  }
0x3: {  	_ = 	snop  }
0x4: {  	_ = 	snop  }
0x5: {  	_ = 	snop  }
0x6: {  	_ = 	snop  }
0x7: {  	_ = 	snop  }
__scs_overlays_trampoline_lowered:
0x8: {  	[smem:$0x3FAA] =	sst s0  }
0x9: {  	[smem:$0x3FAB] =	sst s1  }
0xa: {  	[smem:$0x3FAC] =	sst s2  }
0xb: {  	[smem:$0x3FAD] =	sst s3  }
0xc: {  	[smem:$0x3FAE] =	sst s4  }
0xd: {  	[smem:$0x3FAF] =	sst s5  }
0xe: {  	[smem:$0x3FB0] =	sst s6  }
0xf: {  	[smem:$0x3FB1] =	sst s7  }
0x10: {  	[smem:$0x3FB2] =	sst s8  }
0x11: {  	[smem:$0x3FB3] =	sst s9;
	s0 =	simm.s32 @!p0 $0x0  }
0x12: {  	s1 =	sld [smem:$0x3F99];
	s0 =	simm.s32 @p0 $0x1  }
0x13: {  	[smem:$0x3FB4] =	sst s0;
	s0 =	simm.s32 @!p1 $0x0  }
0x14: {  	s2 =	sld [smem:$0x3F98];
	s0 =	simm.s32 @p1 $0x1  }
0x15: {  	[smem:$0x3FB5] =	sst s0;
	s0 =	simm.s32 @!p2 $0x0  }
0x16: {  	s3 =	sld [smem:$0x3FDB];
	s0 =	simm.s32 @p2 $0x1  }
0x17: {  	s4 =	simm.s32 $0x1BF5;
	[smem:$0x3FB7] =	sst s0  }
0x18: {  	s0 =	sld [smem:$0x3F9A];
	_ =	swait.ge [sflag:s4], $0x0  }
0x19: {  	s7 =	sld [smem:$0x3F9B]  }
0x1a: {  	s8 =	sadd.s32 $0xFFFFE003, lr  }
0x1b: {  	s9 =	sadd.s32 $0xFFFFFEF7, lr;
	s5 =	simm.s32 $0xFFFFFFFF;
	p2 =	slt.u32 s8, $0xFFFFF086  }
0x1c: {  	p1 =	slt.u32 s9, $0xF7A;
	s5 =	simm.s32 @!p2 $0x0  }
0x1d: {  	s5 =	simm.s32 @p1 $0x1;
	p0 =	seq.s32 s7, s2  }
0x1e: {  	s7 =	smul.u32 @!p0 $0xF7A, s2;
	p2 =	seq.s32 @!p0 s5, $0x0  }
0x1f: {  	s9 =	smul.u32 $0xF7A, s1;
	s8 =	simm.s32 @!p0 $0x1BF5;
	p2 =	por !p2, p0  }
0x20: {  	[sflag:s8] =	ssyncset.s32 @!p0 $0xFFFFF086;
	s6 =	sadd.s32 @!p0 s3, s7;
	s7 =	simm.s32 @!p0 $0x108  }
0x21: {  	s3 =	sadd.s32 s3, s9;
	s6 =	sadd.s32 @!p0 $0x88, s6;
	s7 =	simm.s32 @p2 $0x1082  }
0x22: {  	[simem:s7], [sflag:s8] =	dma.local @!p0 [hbm:s6], $0xF7A  }
0x23: {  	s9 =	sor.u32 $0xD0000000, s2;
	s6 =	simm.s32 $0x108;
	_ =	swait.ge @!p0 [sflag:s8], $0x0  }
0x24: {  	s3 =	sadd.s32 $0x88, s3;
	s6 =	simm.s32 @!p1 $0x1082;
	[sflag:s4] =	ssyncset.s32 $0xFFFFF086  }
0x25: {  	[simem:s6], [sflag:s4] =	dma.local [hbm:s3], $0xF7A  }
0x26: {  	[smem:$0x3F9B] =	sst s1;
	(tag) =	ssettag s2;
	_ =	strace s9  }
0x27: {  	s1 =	sld [smem:$0x3FAB]  }
0x28: {  	s2 =	sld [smem:$0x3FAC]  }
0x29: {  	s4 =	sld [smem:$0x3FAE]  }
0x2a: {  	p0 =	seq.s32 s5, $0x0;
	s5 =	sld [smem:$0x3FAF]  }
0x2b: {  	s6 =	sld [smem:$0x3FB0]  }
0x2c: {  	s7 =	sld [smem:$0x3FB1]  }
0x2d: {  	s3 =	simm.s32 $0x108;
	s8 =	sld [smem:$0x3FB2]  }
0x2e: {  	s3 =	simm.s32 @!p0 $0x1082;
	s9 =	sld [smem:$0x3FB3]  }
0x2f: {  	lr =	sadd.s32 s0, s3;
	s0 =	sld [smem:$0x3FAA]  }
0x30: {  	s3 =	sld [smem:$0x3FAD]  }
0x31: {  	[smem:$0x3FB6] =	sst s10  }
0x32: {  	s10 =	sld [smem:$0x3FB4];
	_ =	sdelay $0x3  }
0x33: {  	p0 =	seq.s32 s10, $0x1;
	s10 =	sld [smem:$0x3FB6];
	_ =	sdelay $0x3  }
0x34: {  	[smem:$0x3FB6] =	sst s10  }
0x35: {  	s10 =	sld [smem:$0x3FB5];
	_ =	sdelay $0x3  }
0x36: {  	p1 =	seq.s32 s10, $0x1;
	s10 =	sld [smem:$0x3FB6];
	_ =	sdelay $0x3  }
0x37: {  	[smem:$0x3FB6] =	sst s10  }
0x38: {  	s10 =	sld [smem:$0x3FB7]  }
0x39: {  	_ = 	snop;
	(pc) =	sbr.ind lr, $3  }
0x3a: {  	_ = 	snop  }
0x3b: {  	_ = 	snop  }
0x3c: {  	p2 =	seq.s32 s10, $0x1;
	s10 =	sld [smem:$0x3FB6]  }
0x3d: {  	_ =	shalt  }
0x3e: {  	_ =	shalt  }
0x3f: {  	_ =	shalt  }
0x40: {  	_ =	shalt  }
0x41: {  	_ =	shalt  }
0x42: {  	_ =	shalt  }
0x43: {  	_ =	shalt  }
0x44: {  	_ =	shalt  }
0x45: {  	_ =	shalt  }
0x46: {  	_ =	shalt  }
0x47: {  	_ =	shalt  }
0x48: {  	_ =	shalt  }
0x49: {  	_ =	shalt  }
0x4a: {  	_ =	shalt  }
0x4b: {  	_ =	shalt  }
0x4c: {  	_ =	shalt  }
0x4d: {  	_ =	shalt  }
0x4e: {  	_ =	shalt  }
0x4f: {  	_ =	shalt  }
0x50: {  	_ =	shalt  }
0x51: {  	_ =	shalt  }
0x52: {  	_ =	shalt  }
0x53: {  	_ =	shalt  }
0x54: {  	_ =	shalt  }
0x55: {  	_ =	shalt  }
0x56: {  	_ =	shalt  }
0x57: {  	_ =	shalt  }
0x58: {  	_ =	shalt  }
0x59: {  	_ =	shalt  }
0x5a: {  	_ =	shalt  }
0x5b: {  	_ =	shalt  }
0x5c: {  	_ =	shalt  }
0x5d: {  	_ =	shalt  }
0x5e: {  	_ =	shalt  }
0x5f: {  	_ =	shalt  }
0x60: {  	_ =	shalt  }
0x61: {  	_ =	shalt  }
0x62: {  	_ =	shalt  }
0x63: {  	_ =	shalt  }
0x64: {  	_ =	shalt  }
0x65: {  	_ =	shalt  }
0x66: {  	_ =	shalt  }
0x67: {  	_ =	shalt  }
0x68: {  	_ =	shalt  }
0x69: {  	_ =	shalt  }
0x6a: {  	_ =	shalt  }
0x6b: {  	_ =	shalt  }
0x6c: {  	_ =	shalt  }
0x6d: {  	_ =	shalt  }
0x6e: {  	_ =	shalt  }
0x6f: {  	_ =	shalt  }
0x70: {  	_ =	shalt  }
0x71: {  	_ =	shalt  }
0x72: {  	_ =	shalt  }
0x73: {  	_ =	shalt  }
0x74: {  	_ =	shalt  }
0x75: {  	_ =	shalt  }
0x76: {  	_ =	shalt  }
0x77: {  	_ =	shalt  }
0x78: {  	_ =	shalt  }
0x79: {  	_ =	shalt  }
0x7a: {  	_ =	shalt  }
0x7b: {  	_ =	shalt  }
0x7c: {  	_ =	shalt  }
0x7d: {  	_ =	shalt  }
0x7e: {  	_ =	shalt  }
0x7f: {  	_ =	shalt  }
0x80: {  	_ =	shalt  }
0x81: {  	_ =	shalt  }
0x82: {  	_ =	shalt  }
0x83: {  	_ =	shalt  }
0x84: {  	_ =	shalt  }
0x85: {  	_ =	shalt  }
0x86: {  	_ =	shalt  }
0x87: {  	_ =	shalt  }
.Lfunc_end0:
.L_simem_size_0:
called_computation_lowered:
.L_overlay_start_0:
0x88: {  	s2 =	sld [smem:$0x3FD9]  }
0x89: {  	s3 =	sld [smem:$0x3FFE];
	_ =	sdelay $0x1  }
0x8a: {  	s1 =	srdreg.scid  }
0x8b: {  	s0 =	sand.u32 $0x1, s1  }
0x8c: {  	s16 =	sshll.u32 s0, $0xA;
	s2 =	sadd.s32 s3, s2  }
0x8d: {  	s2 =	sadd.s32 s2, s16  }
0x8e: {  	[smem:$0x3FC2] =	sst s2  }
0x8f: {  	_ = 	snop  }
0x90: {  	(tm) =	ssettm $0x1  }
0x91: {  	s17 =	sld [smem:$0x3FFB];
	_ =	sdelay $0x3  }
0x92: {  	_ =	strace s17  }
0x93: {  	s2 =	sld [smem:$0x3FFC];
	_ =	sdelay $0x3  }
0x94: {  	_ =	strace s2  }
0x95: {  	s2 =	sld [smem:$0x3FFD];
	_ =	sdelay $0x3  }
0x96: {  	_ =	strace s2  }
0x97: {  	_ =	strace $0x8FFFFFFF  }
0x98: {  	s18 =	sld [smem:$0x3FDB];
	_ =	sdelay $0x1  }
0x99: {  	s19 =	simm.s32 $_scs_section_size  }
0x9a: {  	s4 =	simm.s32 $_size__tile_overlayer_lowered;
	s5 =	simm.s32 $_tile_overlayer_lowered  }
0x9b: {  	s22 =	simm.s32 $0x1BFF;
	s21 =	sshll.u32 s5, $0x1;
	s2 =	sadd.s32 s19, s18  }
0x9c: {  	s6 =	simm.s32 $0x0;
	s20 =	sshll.u32 s4, $0x1;
	s4 =	sadd.s32 s21, s2  }
0x9d: {  	[timem:s6], [sflag:s22] =	dma.local [hbm:s4], s20  }
0x9e: {  	_ =	swait.ge [sflag:s22], s20  }
0x9f: {  	s3 =	ssub.s32 $0x0, s20;
	[sflag:s22] =	ssyncset.done $0x0  }
0xa0: {  	[sflag:s22] =	ssyncadd.s32 s3;
	_ =	sdelay $0x1  }
0xa1: {  	s23 =	simm.s32 $0x1B8B  }
0xa2: {  	_ =	swait.ge [sflag:s23], $0x1  }
0xa3: {  	[sflag:s23] =	ssyncset.done $0x0  }
0xa4: {  	s25 =	simm.s32 $0x1B8E;
	s24 =	sld [smem:$0x3FFE];
	[sflag:s23] =	ssyncadd.s32 $0xFFFFFFFF  }
0xa5: {  	s26 =	simm.s32 $execute0_lowered;
	[smem:$0x3FD2] =	sst s25  }
0xa6: {  	s4 =	sshll.u32 s26, $0x1;
	_ =	strace $0x80000046;
	[dreg:$0x1] =	wrdreg $0xFFFFFFFF  }
0xa7: {  	s28 =	simm.s32 $_size_execute0_lowered;
	s2 =	sadd.s32 s2, s4;
	[dreg:$0x0] =	wrdreg $0x0  }
0xa8: {  	s4 =	sshll.u32 s28, $0x1;
	[dreg:$0x2] =	wrdreg s2  }
0xa9: {  	[dreg:$0x3] =	wrdreg s4  }
0xaa: {  	[dreg:$0x4] =	wrdreg $0xC0  }
0xab: {  	_ =	task [dreg:s6], $0x5FFFF  }
0xac: {  	[dreg:$0x1] =	wrdreg $0xFFFFFFFF  }
0xad: {  	[dreg:$0x0] =	wrdreg $0x60  }
0xae: {  	[dreg:$0x2] =	wrdreg s24  }
0xaf: {  	[dreg:$0x3] =	wrdreg $0x9  }
0xb0: {  	_ =	task.clear_ibuf [dreg:s6], $0x4FFFF;
	_ =	strace $0x90000046  }
0xb1: {  	s29 =	simm.s32 $0x9;
	_ =	strace $0x80000048  }
0xb2: {  	_ =	swait.ge [sflag:s29], $0x1  }
0xb3: {  	[sflag:s29] =	ssyncadd.s32 $0xFFFFFFFF  }
0xb4: {  	_ =	strace $0x90000048  }
0xb5: {  	_ =	sfence  }
0xb6: {  	s30 =	sld [smem:$0x0];
	_ =	sdelay $0x2  }
0xb7: {  	s31 =	sshll.u32 s1, $0xD;
	s1 =	sshrl.u32 s1, $0x2  }
0xb8: {  	s3 =	sand.u32 $0x4000, s31;
	s1 =	sadd.s32 s1, s30  }
0xb9: {  	s0 =	sor.u32 s3, s0;
	s1 =	sshll.u32 s1, $0x11  }
0xba: {  	s0 =	sor.u32 s1, s0  }
0xbb: {  	s0 =	sadd.s32 $0x8F2B, s0  }
0xbc: {  	[sflag:s0] =	ssyncadd.remote.s32 $0x1  }
0xbd: {  	_ =	sfence.sel $0xFFFF  }
0xbe: {  	[dreg:$0x0] =	wrdreg $0xFFFFFFFF;
	(pc) =	sbr.abs _section_cstart, $3  }
0xbf: {  	[dreg:$0x1] =	wrdreg $0xFFFFFFFF  }
0xc0: {  	_ =	task.clear_ibuf [dreg:s6], $0x2FFFF;
	_ =	strace $0x9FFFFFFF  }
0xc1: {  	(tm) =	ssettm $0x7FFFFFFF  }
tec
execute0_lowered:
.L_overlay_start_1:
0x0: {  	(tag) =	ssettag $0x1  }
0x1: {  	s0 =	rddreg [dreg:$0x0];
	s1 =	srdreg.scid  }
0x2: {  	s5 =	stileid.u32;
	s2 =	simm.s32 $0x0;
	s8 =	simm.s32 $0x9  }
0x3: {  	s9 =	simm.s32 $0x200;
	s17 =	simm.s32 $0x4200;
	s25 =	simm.s32 $0x8200  }
0x4: {  	s10 =	simm.s32 $0xC200;
	s12 =	simm.s32 $0xD200;
	s13 =	simm.s32 $0xDA00  }
0x5: {  	s14 =	simm.s32 $0xE200;
	s15 =	simm.s32 $0xEA00;
	s16 =	simm.s32 $0xF200  }
0x6: {  	s18 =	simm.s32 $0xFA00;
	s19 =	simm.s32 $0x1;
	s20 =	simm.s32 $0x5  }
0x7: {  	s21 =	simm.s32 $0x2;
	s22 =	simm.s32 $0x6;
	s23 =	simm.s32 $0x3  }
0x8: {  	s24 =	simm.s32 $0x7;
	s26 =	simm.s32 $0x4;
	s28 =	simm.s32 $0x8  }
0x9: {  	s29 =	simm.s32 $0x0;
	s1 =	sand.u32 $0x1, s1;
	s3 =	sshll.u32 s5, $0xA  }
0xa: {  	[smem:$0x7FF] =	sst s2;
	s5 =	sshll.u32 s5, $0x10;
	s4 =	sshll.u32 s1, $0x9  }
0xb: {  	_ =	strace $0x80000047;
	s6 =	ssub.s32 $0x2, s1;
	s5 =	sadd.s32 s5, s0  }
0xc: {  	s1 =	sshll.u32 s1, $0xF;
	s4 =	sor.u32 s4, s3;
	s3 =	sadd.s32 $0x1A00, s0  }
0xd: {  	v2 =	vlaneseq.u32;
	s7 =	sshrl.u32 s6, $0x1;
	s1 =	sadd.s32 s1, s5;
	s4 =	sshrl.u32 s4, $0x3  }
0xe: {  	vm0 =	vmmov $0xffff;
	v1 =	vshrl.u32 v2, $0x3;
	s5 =	sadd.s32 $0x1B00, s0;
	s6 =	ssub.s32 s6, s7;
	s4 =	sadd.s32 s4, s0  }
0xf: {  	v0 =	vand.u32 $0x7, v2;
	v2 =	vor.u32 $0x8, v2;
	v1 =	vmul.u32 $0x8, v1;
	s7 =	sadd.s32 $0x5A00, s1;
	s6 =	smax.u32 s6, $0x1;
	s4 =	sadd.s32 $0x1200, s4  }
.LBB2_1:
0x10: {  	[tilespmem:s2], [sflag:$0x9] =	stream.linear.gather [hbm4b:s4+s2], $0x200, $0x38;
	[tilespmem:$0x10200] =	vst v63  }
0x11: {  	_ =	swait.ge [sflag:s8], $0x200  }
0x12: {  	[sflag:s8] =	ssyncset.done $0x0  }
0x13: {  	[sflag:s8] =	ssyncadd.s32 $0xFFFFFE00  }
0x14: {  	v3 =	vld [tilespmem:$0x0];
	_ =	sdelay $0x4  }
0x15: {  	v4 =	vshll.u32 v3, $0x2  }
0x16: {  	v3 =	vand.u32 $0x7, v3;
	v4 =	vand.u32 $0xFFFFFFE0, v4  }
0x17: {  	v3 =	vor.u32 v3, v4  }
0x18: {  	v4 =	vperm.xlane v3, v0;
	_ =	sdelay $0x1  }
0x19: {  	v4 =	vadd.s32 v1, v4;
	_ =	sdelay $0x1  }
0x1a: {  	v3 =	vperm.xlane v3, v2;
	_ =	sdelay $0x1  }
0x1b: {  	v3 =	vadd.s32 v1, v3  }
0x1c: {  	[tilespmem:s9], [sflag:$0x1] =	stream.indirect_vreg.gather [hbm4b:s3+s2], $0x80, v4, vm0, $0xb8;
	[tilespmem:$0x10200] =	vst v63  }
0x1d: {  	s0 =	simm.s32 $0xA00  }
0x1e: {  	[tilespmem:s0], [sflag:$0x1] =	stream.indirect_vreg.gather [hbm4b:s5+s2], $0x80, v4, vm0, $0xb8;
	[tilespmem:$0x10200] =	vst v63  }
0x1f: {  	s11 =	simm.s32 $0x1200  }
0x20: {  	[tilespmem:s11], [sflag:$0x1] =	stream.indirect_vreg.gather [hbm4b:s3+s2], $0x80, v3, vm0, $0xb8;
	[tilespmem:$0x10200] =	vst v63  }
0x21: {  	s1 =	simm.s32 $0x1A00  }
0x22: {  	[tilespmem:s1], [sflag:$0x1] =	stream.indirect_vreg.gather [hbm4b:s5+s2], $0x80, v3, vm0, $0xb8;
	[tilespmem:$0x10200] =	vst v63  }
0x23: {  	v3 =	vld [tilespmem:$0x10];
	_ =	sdelay $0x4  }
0x24: {  	v57 =	vshll.u32 v3, $0x2  }
0x25: {  	v3 =	vand.u32 $0x7, v3;
	v4 =	vand.u32 $0xFFFFFFE0, v57  }
0x26: {  	v3 =	vor.u32 v3, v4  }
0x27: {  	v4 =	vperm.xlane v3, v0;
	_ =	sdelay $0x1  }
0x28: {  	v4 =	vadd.s32 v1, v4;
	_ =	sdelay $0x1  }
0x29: {  	v3 =	vperm.xlane v3, v2;
	_ =	sdelay $0x1  }
0x2a: {  	s11 =	simm.s32 $0x2200;
	v3 =	vadd.s32 v1, v3  }
0x2b: {  	[tilespmem:s11], [sflag:$0x1] =	stream.indirect_vreg.gather [hbm4b:s3+s2], $0x80, v4, vm0, $0xb8;
	[tilespmem:$0x10200] =	vst v63  }
0x2c: {  	s1 =	simm.s32 $0x2A00  }
0x2d: {  	[tilespmem:s1], [sflag:$0x1] =	stream.indirect_vreg.gather [hbm4b:s5+s2], $0x80, v4, vm0, $0xb8;
	[tilespmem:$0x10200] =	vst v63  }
0x2e: {  	s11 =	simm.s32 $0x3200  }
0x2f: {  	[tilespmem:s11], [sflag:$0x1] =	stream.indirect_vreg.gather [hbm4b:s3+s2], $0x80, v3, vm0, $0xb8;
	[tilespmem:$0x10200] =	vst v63  }
0x30: {  	s1 =	simm.s32 $0x3A00  }
0x31: {  	[tilespmem:s1], [sflag:$0x1] =	stream.indirect_vreg.gather [hbm4b:s5+s2], $0x80, v3, vm0, $0xb8;
	[tilespmem:$0x10200] =	vst v63  }
0x32: {  	v3 =	vld [tilespmem:$0x20];
	_ =	sdelay $0x4  }
0x33: {  	v58 =	vshll.u32 v3, $0x2  }
0x34: {  	v3 =	vand.u32 $0x7, v3;
	v4 =	vand.u32 $0xFFFFFFE0, v58  }
0x35: {  	v3 =	vor.u32 v3, v4  }
0x36: {  	v4 =	vperm.xlane v3, v0;
	_ =	sdelay $0x1  }
0x37: {  	v4 =	vadd.s32 v1, v4;
	_ =	sdelay $0x1  }
0x38: {  	v3 =	vperm.xlane v3, v2;
	_ =	sdelay $0x1  }
0x39: {  	v3 =	vadd.s32 v1, v3  }
0x3a: {  	[tilespmem:s17], [sflag:$0x2] =	stream.indirect_vreg.gather [hbm4b:s3+s2], $0x80, v4, vm0, $0xb8;
	[tilespmem:$0x10200] =	vst v63  }
0x3b: {  	s11 =	simm.s32 $0x4A00  }
0x3c: {  	[tilespmem:s11], [sflag:$0x2] =	stream.indirect_vreg.gather [hbm4b:s5+s2], $0x80, v4, vm0, $0xb8;
	[tilespmem:$0x10200] =	vst v63  }
0x3d: {  	s1 =	simm.s32 $0x5200  }
0x3e: {  	[tilespmem:s1], [sflag:$0x2] =	stream.indirect_vreg.gather [hbm4b:s3+s2], $0x80, v3, vm0, $0xb8;
	[tilespmem:$0x10200] =	vst v63  }
0x3f: {  	s11 =	simm.s32 $0x5A00  }
0x40: {  	[tilespmem:s11], [sflag:$0x2] =	stream.indirect_vreg.gather [hbm4b:s5+s2], $0x80, v3, vm0, $0xb8;
	[tilespmem:$0x10200] =	vst v63  }
0x41: {  	v3 =	vld [tilespmem:$0x30];
	_ =	sdelay $0x4  }
0x42: {  	v59 =	vshll.u32 v3, $0x2  }
0x43: {  	v3 =	vand.u32 $0x7, v3;
	v4 =	vand.u32 $0xFFFFFFE0, v59  }
0x44: {  	v3 =	vor.u32 v3, v4  }
0x45: {  	v4 =	vperm.xlane v3, v0;
	_ =	sdelay $0x1  }
0x46: {  	v4 =	vadd.s32 v1, v4;
	_ =	sdelay $0x1  }
0x47: {  	v3 =	vperm.xlane v3, v2;
	_ =	sdelay $0x1  }
0x48: {  	s1 =	simm.s32 $0x6200;
	v3 =	vadd.s32 v1, v3  }
0x49: {  	[tilespmem:s1], [sflag:$0x2] =	stream.indirect_vreg.gather [hbm4b:s3+s2], $0x80, v4, vm0, $0xb8;
	[tilespmem:$0x10200] =	vst v63  }
0x4a: {  	s11 =	simm.s32 $0x6A00  }
0x4b: {  	[tilespmem:s11], [sflag:$0x2] =	stream.indirect_vreg.gather [hbm4b:s5+s2], $0x80, v4, vm0, $0xb8;
	[tilespmem:$0x10200] =	vst v63  }
0x4c: {  	s1 =	simm.s32 $0x7200  }
0x4d: {  	[tilespmem:s1], [sflag:$0x2] =	stream.indirect_vreg.gather [hbm4b:s3+s2], $0x80, v3, vm0, $0xb8;
	[tilespmem:$0x10200] =	vst v63  }
0x4e: {  	s11 =	simm.s32 $0x7A00  }
0x4f: {  	[tilespmem:s11], [sflag:$0x2] =	stream.indirect_vreg.gather [hbm4b:s5+s2], $0x80, v3, vm0, $0xb8;
	[tilespmem:$0x10200] =	vst v63  }
0x50: {  	v3 =	vld [tilespmem:$0x40];
	_ =	sdelay $0x4  }
0x51: {  	v60 =	vshll.u32 v3, $0x2  }
0x52: {  	v3 =	vand.u32 $0x7, v3;
	v4 =	vand.u32 $0xFFFFFFE0, v60  }
0x53: {  	v3 =	vor.u32 v3, v4  }
0x54: {  	v4 =	vperm.xlane v3, v0;
	_ =	sdelay $0x1  }
0x55: {  	v4 =	vadd.s32 v1, v4;
	_ =	sdelay $0x1  }
0x56: {  	v3 =	vperm.xlane v3, v2;
	_ =	sdelay $0x1  }
0x57: {  	v3 =	vadd.s32 v1, v3  }
0x58: {  	[tilespmem:s25], [sflag:$0x3] =	stream.indirect_vreg.gather [hbm4b:s3+s2], $0x80, v4, vm0, $0xb8;
	[tilespmem:$0x10200] =	vst v63  }
0x59: {  	s1 =	simm.s32 $0x8A00  }
0x5a: {  	[tilespmem:s1], [sflag:$0x3] =	stream.indirect_vreg.gather [hbm4b:s5+s2], $0x80, v4, vm0, $0xb8;
	[tilespmem:$0x10200] =	vst v63  }
0x5b: {  	s11 =	simm.s32 $0x9200  }
0x5c: {  	[tilespmem:s11], [sflag:$0x3] =	stream.indirect_vreg.gather [hbm4b:s3+s2], $0x80, v3, vm0, $0xb8;
	[tilespmem:$0x10200] =	vst v63  }
0x5d: {  	s1 =	simm.s32 $0x9A00  }
0x5e: {  	[tilespmem:s1], [sflag:$0x3] =	stream.indirect_vreg.gather [hbm4b:s5+s2], $0x80, v3, vm0, $0xb8;
	[tilespmem:$0x10200] =	vst v63  }
0x5f: {  	v3 =	vld [tilespmem:$0x50];
	_ =	sdelay $0x4  }
0x60: {  	v61 =	vshll.u32 v3, $0x2  }
0x61: {  	v3 =	vand.u32 $0x7, v3;
	v4 =	vand.u32 $0xFFFFFFE0, v61  }
0x62: {  	v3 =	vor.u32 v3, v4  }
0x63: {  	v4 =	vperm.xlane v3, v0;
	_ =	sdelay $0x1  }
0x64: {  	v4 =	vadd.s32 v1, v4;
	_ =	sdelay $0x1  }
0x65: {  	v3 =	vperm.xlane v3, v2;
	_ =	sdelay $0x1  }
0x66: {  	s11 =	simm.s32 $0xA200;
	v3 =	vadd.s32 v1, v3  }
0x67: {  	[tilespmem:s11], [sflag:$0x3] =	stream.indirect_vreg.gather [hbm4b:s3+s2], $0x80, v4, vm0, $0xb8;
	[tilespmem:$0x10200] =	vst v63  }
0x68: {  	s1 =	simm.s32 $0xAA00  }
0x69: {  	[tilespmem:s1], [sflag:$0x3] =	stream.indirect_vreg.gather [hbm4b:s5+s2], $0x80, v4, vm0, $0xb8;
	[tilespmem:$0x10200] =	vst v63  }
0x6a: {  	s11 =	simm.s32 $0xB200  }
0x6b: {  	[tilespmem:s11], [sflag:$0x3] =	stream.indirect_vreg.gather [hbm4b:s3+s2], $0x80, v3, vm0, $0xb8;
	[tilespmem:$0x10200] =	vst v63  }
0x6c: {  	s1 =	simm.s32 $0xBA00  }
0x6d: {  	[tilespmem:s1], [sflag:$0x3] =	stream.indirect_vreg.gather [hbm4b:s5+s2], $0x80, v3, vm0, $0xb8;
	[tilespmem:$0x10200] =	vst v63  }
0x6e: {  	v3 =	vld [tilespmem:$0x60];
	_ =	sdelay $0x4  }
0x6f: {  	v62 =	vshll.u32 v3, $0x2  }
0x70: {  	v3 =	vand.u32 $0x7, v3;
	v4 =	vand.u32 $0xFFFFFFE0, v62  }
0x71: {  	v3 =	vor.u32 v3, v4  }
0x72: {  	v4 =	vperm.xlane v3, v0;
	_ =	sdelay $0x1  }
0x73: {  	v4 =	vadd.s32 v1, v4;
	_ =	sdelay $0x1  }
0x74: {  	v3 =	vperm.xlane v3, v2;
	_ =	sdelay $0x1  }
0x75: {  	v3 =	vadd.s32 v1, v3  }
0x76: {  	[tilespmem:s10], [sflag:$0x4] =	stream.indirect_vreg.gather [hbm4b:s3+s2], $0x80, v4, vm0, $0xb8;
	[tilespmem:$0x10200] =	vst v63  }
0x77: {  	s11 =	simm.s32 $0xCA00  }
0x78: {  	[tilespmem:s11], [sflag:$0x4] =	stream.indirect_vreg.gather [hbm4b:s5+s2], $0x80, v4, vm0, $0xb8;
	[tilespmem:$0x10200] =	vst v63  }
0x79: {  	_ = 	snop  }
0x7a: {  	[tilespmem:s12], [sflag:$0x4] =	stream.indirect_vreg.gather [hbm4b:s3+s2], $0x80, v3, vm0, $0xb8;
	[tilespmem:$0x10200] =	vst v63  }
0x7b: {  	_ = 	snop  }
0x7c: {  	[tilespmem:s13], [sflag:$0x4] =	stream.indirect_vreg.gather [hbm4b:s5+s2], $0x80, v3, vm0, $0xb8;
	[tilespmem:$0x10200] =	vst v63  }
0x7d: {  	v3 =	vld [tilespmem:$0x70];
	_ =	sdelay $0x4  }
0x7e: {  	v63 =	vshll.u32 v3, $0x2  }
0x7f: {  	v3 =	vand.u32 $0x7, v3;
	v4 =	vand.u32 $0xFFFFFFE0, v63  }
0x80: {  	v3 =	vor.u32 v3, v4  }
0x81: {  	v4 =	vperm.xlane v3, v0;
	_ =	sdelay $0x1  }
0x82: {  	v4 =	vadd.s32 v1, v4;
	_ =	sdelay $0x1  }
0x83: {  	v3 =	vperm.xlane v3, v2;
	_ =	sdelay $0x1  }
0x84: {  	v3 =	vadd.s32 v1, v3  }
0x85: {  	[tilespmem:s14], [sflag:$0x4] =	stream.indirect_vreg.gather [hbm4b:s3+s2], $0x80, v4, vm0, $0xb8;
	[tilespmem:$0x10200] =	vst v63  }
0x86: {  	_ = 	snop  }
0x87: {  	[tilespmem:s15], [sflag:$0x4] =	stream.indirect_vreg.gather [hbm4b:s5+s2], $0x80, v4, vm0, $0xb8;
	[tilespmem:$0x10200] =	vst v63  }
0x88: {  	_ = 	snop  }
0x89: {  	[tilespmem:s16], [sflag:$0x4] =	stream.indirect_vreg.gather [hbm4b:s3+s2], $0x80, v3, vm0, $0xb8;
	[tilespmem:$0x10200] =	vst v63  }
0x8a: {  	s30 =	simm.s32 $0xF0;
	s31 =	simm.s32 $0x0  }
0x8b: {  	[tilespmem:s18], [sflag:$0x4] =	stream.indirect_vreg.gather [hbm4b:s5+s2], $0x80, v3, vm0, $0xb8;
	[tilespmem:$0x10200] =	vst v63  }
.LBB2_2:
0x8c: {  	_ =	swait.ge [sflag:s19], $0x4000  }
0x8d: {  	[sflag:s19] =	ssyncset.done $0x0  }
0x8e: {  	s1 =	sadd.s32 s31, s7;
	[sflag:s19] =	ssyncadd.s32 $0xFFFFC000  }
0x8f: {  	[hbm4b:s1+s2] =	stream.linear.scatter [tilespmem:s9], [sflag:$0x5], $0x4000, $0x38;
	[tilespmem:$0x10200] =	vst v63  }
0x90: {  	_ =	swait.ge [sflag:s20], $0x4000  }
0x91: {  	[sflag:s20] =	ssyncset.done $0x0  }
0x92: {  	p0 =	seq.s32 s31, $0x6000;
	[sflag:s20] =	ssyncadd.s32 $0xFFFFC000  }
0x93: {  	v3 =	vld @!p0 [tilespmem:s30+$0xFFFFFF90];
	_ =	sdelay $0x4  }
0x94: {  	v4 =	vshll.u32 @!p0 v3, $0x2  }
0x95: {  	v5 =	vlaneseq.u32 @!p0;
	v3 =	vand.u32 @!p0 $0x7, v3;
	v4 =	vand.u32 @!p0 $0xFFFFFFE0, v4  }
0x96: {  	v6 =	vor.u32 @!p0 v3, v4;
	v4 =	vand.u32 @!p0 $0x7, v5;
	v3 =	vshrl.u32 @!p0 v5, $0x3  }
0x97: {  	v7 =	vperm.xlane @!p0 v6, v4;
	v3 =	vmul.u32 @!p0 $0x8, v3;
	_ =	sdelay $0x1  }
0x98: {  	v7 =	vadd.s32 @!p0 v3, v7  }
0x99: {  	v5 =	vor.u32 @!p0 $0x8, v5  }
0x9a: {  	v6 =	vperm.xlane @!p0 v6, v5;
	_ =	sdelay $0x1  }
0x9b: {  	vm1 =	vmmov @!p0 $0xffff;
	s0 =	simm.s32 @!p0 $0x0;
	s11 =	simm.s32 @!p0 $0x200;
	v6 =	vadd.s32 @!p0 v3, v6  }
0x9c: {  	[tilespmem:s11], [sflag:$0x1] =	stream.indirect_vreg.gather @!p0 [hbm4b:s3+s0], $0x80, v7, vm1, $0xb8;
	[tilespmem:$0x10200] =	vst v63  }
0x9d: {  	s11 =	simm.s32 @!p0 $0xA00  }
0x9e: {  	[tilespmem:s11], [sflag:$0x1] =	stream.indirect_vreg.gather @!p0 [hbm4b:s5+s0], $0x80, v7, vm1, $0xb8;
	[tilespmem:$0x10200] =	vst v63  }
0x9f: {  	s11 =	simm.s32 @!p0 $0x1200  }
0xa0: {  	[tilespmem:s11], [sflag:$0x1] =	stream.indirect_vreg.gather @!p0 [hbm4b:s3+s0], $0x80, v6, vm1, $0xb8;
	[tilespmem:$0x10200] =	vst v63  }
0xa1: {  	s11 =	simm.s32 @!p0 $0x1A00  }
0xa2: {  	[tilespmem:s11], [sflag:$0x1] =	stream.indirect_vreg.gather @!p0 [hbm4b:s5+s0], $0x80, v6, vm1, $0xb8;
	[tilespmem:$0x10200] =	vst v63  }
0xa3: {  	v6 =	vld @!p0 [tilespmem:s30+$0xFFFFFFA0];
	_ =	sdelay $0x4  }
0xa4: {  	v7 =	vshll.u32 @!p0 v6, $0x2  }
0xa5: {  	v6 =	vand.u32 @!p0 $0x7, v6;
	v7 =	vand.u32 @!p0 $0xFFFFFFE0, v7  }
0xa6: {  	v6 =	vor.u32 @!p0 v6, v7  }
0xa7: {  	v7 =	vperm.xlane @!p0 v6, v4;
	_ =	sdelay $0x1  }
0xa8: {  	v7 =	vadd.s32 @!p0 v3, v7;
	_ =	sdelay $0x1  }
0xa9: {  	v6 =	vperm.xlane @!p0 v6, v5;
	_ =	sdelay $0x1  }
0xaa: {  	s11 =	simm.s32 @!p0 $0x2200;
	v6 =	vadd.s32 @!p0 v3, v6  }
0xab: {  	[tilespmem:s11], [sflag:$0x1] =	stream.indirect_vreg.gather @!p0 [hbm4b:s3+s0], $0x80, v7, vm1, $0xb8;
	[tilespmem:$0x10200] =	vst v63  }
0xac: {  	s11 =	simm.s32 @!p0 $0x2A00  }
0xad: {  	[tilespmem:s11], [sflag:$0x1] =	stream.indirect_vreg.gather @!p0 [hbm4b:s5+s0], $0x80, v7, vm1, $0xb8;
	[tilespmem:$0x10200] =	vst v63  }
0xae: {  	s11 =	simm.s32 @!p0 $0x3200  }
0xaf: {  	[tilespmem:s11], [sflag:$0x1] =	stream.indirect_vreg.gather @!p0 [hbm4b:s3+s0], $0x80, v6, vm1, $0xb8;
	[tilespmem:$0x10200] =	vst v63  }
0xb0: {  	s11 =	simm.s32 @!p0 $0x3A00  }
0xb1: {  	[tilespmem:s11], [sflag:$0x1] =	stream.indirect_vreg.gather @!p0 [hbm4b:s5+s0], $0x80, v6, vm1, $0xb8;
	[tilespmem:$0x10200] =	vst v63  }
0xb2: {  	_ =	swait.ge [sflag:s21], $0x4000  }
0xb3: {  	[sflag:s21] =	ssyncset.done $0x0  }
0xb4: {  	s11 =	sadd.s32 $0x800, s1;
	[sflag:s21] =	ssyncadd.s32 $0xFFFFC000  }
0xb5: {  	[hbm4b:s11+s2] =	stream.linear.scatter [tilespmem:s17], [sflag:$0x6], $0x4000, $0x38;
	[tilespmem:$0x10200] =	vst v63  }
0xb6: {  	_ =	swait.ge [sflag:s22], $0x4000  }
0xb7: {  	[sflag:s22] =	ssyncset.done $0x0  }
0xb8: {  	[sflag:s22] =	ssyncadd.s32 $0xFFFFC000  }
0xb9: {  	v6 =	vld @!p0 [tilespmem:s30+$0xFFFFFFB0];
	_ =	sdelay $0x4  }
0xba: {  	v7 =	vshll.u32 @!p0 v6, $0x2  }
0xbb: {  	v6 =	vand.u32 @!p0 $0x7, v6;
	v7 =	vand.u32 @!p0 $0xFFFFFFE0, v7  }
0xbc: {  	v6 =	vor.u32 @!p0 v6, v7  }
0xbd: {  	v7 =	vperm.xlane @!p0 v6, v4;
	_ =	sdelay $0x1  }
0xbe: {  	v7 =	vadd.s32 @!p0 v3, v7;
	_ =	sdelay $0x1  }
0xbf: {  	v6 =	vperm.xlane @!p0 v6, v5;
	_ =	sdelay $0x1  }
0xc0: {  	s11 =	simm.s32 @!p0 $0x4200;
	v6 =	vadd.s32 @!p0 v3, v6  }
0xc1: {  	[tilespmem:s11], [sflag:$0x2] =	stream.indirect_vreg.gather @!p0 [hbm4b:s3+s0], $0x80, v7, vm1, $0xb8;
	[tilespmem:$0x10200] =	vst v63  }
0xc2: {  	s11 =	simm.s32 @!p0 $0x4A00  }
0xc3: {  	[tilespmem:s11], [sflag:$0x2] =	stream.indirect_vreg.gather @!p0 [hbm4b:s5+s0], $0x80, v7, vm1, $0xb8;
	[tilespmem:$0x10200] =	vst v63  }
0xc4: {  	s11 =	simm.s32 @!p0 $0x5200  }
0xc5: {  	[tilespmem:s11], [sflag:$0x2] =	stream.indirect_vreg.gather @!p0 [hbm4b:s3+s0], $0x80, v6, vm1, $0xb8;
	[tilespmem:$0x10200] =	vst v63  }
0xc6: {  	s11 =	simm.s32 @!p0 $0x5A00  }
0xc7: {  	[tilespmem:s11], [sflag:$0x2] =	stream.indirect_vreg.gather @!p0 [hbm4b:s5+s0], $0x80, v6, vm1, $0xb8;
	[tilespmem:$0x10200] =	vst v63  }
0xc8: {  	v6 =	vld @!p0 [tilespmem:s30+$0xFFFFFFC0];
	_ =	sdelay $0x4  }
0xc9: {  	v7 =	vshll.u32 @!p0 v6, $0x2  }
0xca: {  	v6 =	vand.u32 @!p0 $0x7, v6;
	v7 =	vand.u32 @!p0 $0xFFFFFFE0, v7  }
0xcb: {  	v6 =	vor.u32 @!p0 v6, v7  }
0xcc: {  	v7 =	vperm.xlane @!p0 v6, v4;
	_ =	sdelay $0x1  }
0xcd: {  	v7 =	vadd.s32 @!p0 v3, v7;
	_ =	sdelay $0x1  }
0xce: {  	v6 =	vperm.xlane @!p0 v6, v5;
	_ =	sdelay $0x1  }
0xcf: {  	s11 =	simm.s32 @!p0 $0x6200;
	v6 =	vadd.s32 @!p0 v3, v6  }
0xd0: {  	[tilespmem:s11], [sflag:$0x2] =	stream.indirect_vreg.gather @!p0 [hbm4b:s3+s0], $0x80, v7, vm1, $0xb8;
	[tilespmem:$0x10200] =	vst v63  }
0xd1: {  	s11 =	simm.s32 @!p0 $0x6A00  }
0xd2: {  	[tilespmem:s11], [sflag:$0x2] =	stream.indirect_vreg.gather @!p0 [hbm4b:s5+s0], $0x80, v7, vm1, $0xb8;
	[tilespmem:$0x10200] =	vst v63  }
0xd3: {  	s11 =	simm.s32 @!p0 $0x7200  }
0xd4: {  	[tilespmem:s11], [sflag:$0x2] =	stream.indirect_vreg.gather @!p0 [hbm4b:s3+s0], $0x80, v6, vm1, $0xb8;
	[tilespmem:$0x10200] =	vst v63  }
0xd5: {  	s11 =	simm.s32 @!p0 $0x7A00  }
0xd6: {  	[tilespmem:s11], [sflag:$0x2] =	stream.indirect_vreg.gather @!p0 [hbm4b:s5+s0], $0x80, v6, vm1, $0xb8;
	[tilespmem:$0x10200] =	vst v63  }
0xd7: {  	_ =	swait.ge [sflag:s23], $0x4000  }
0xd8: {  	[sflag:s23] =	ssyncset.done $0x0  }
0xd9: {  	s11 =	sadd.s32 $0x1000, s1;
	[sflag:s23] =	ssyncadd.s32 $0xFFFFC000  }
0xda: {  	[hbm4b:s11+s2] =	stream.linear.scatter [tilespmem:s25], [sflag:$0x7], $0x4000, $0x38;
	[tilespmem:$0x10200] =	vst v63  }
0xdb: {  	_ =	swait.ge [sflag:s24], $0x4000  }
0xdc: {  	[sflag:s24] =	ssyncset.done $0x0  }
0xdd: {  	[sflag:s24] =	ssyncadd.s32 $0xFFFFC000  }
0xde: {  	v6 =	vld @!p0 [tilespmem:s30+$0xFFFFFFD0];
	_ =	sdelay $0x4  }
0xdf: {  	v7 =	vshll.u32 @!p0 v6, $0x2  }
0xe0: {  	v6 =	vand.u32 @!p0 $0x7, v6;
	v7 =	vand.u32 @!p0 $0xFFFFFFE0, v7  }
0xe1: {  	v6 =	vor.u32 @!p0 v6, v7  }
0xe2: {  	v7 =	vperm.xlane @!p0 v6, v4;
	_ =	sdelay $0x1  }
0xe3: {  	v7 =	vadd.s32 @!p0 v3, v7;
	_ =	sdelay $0x1  }
0xe4: {  	v6 =	vperm.xlane @!p0 v6, v5;
	_ =	sdelay $0x1  }
0xe5: {  	s11 =	simm.s32 @!p0 $0x8200;
	v6 =	vadd.s32 @!p0 v3, v6  }
0xe6: {  	[tilespmem:s11], [sflag:$0x3] =	stream.indirect_vreg.gather @!p0 [hbm4b:s3+s0], $0x80, v7, vm1, $0xb8;
	[tilespmem:$0x10200] =	vst v63  }
0xe7: {  	s11 =	simm.s32 @!p0 $0x8A00  }
0xe8: {  	[tilespmem:s11], [sflag:$0x3] =	stream.indirect_vreg.gather @!p0 [hbm4b:s5+s0], $0x80, v7, vm1, $0xb8;
	[tilespmem:$0x10200] =	vst v63  }
0xe9: {  	s11 =	simm.s32 @!p0 $0x9200  }
0xea: {  	[tilespmem:s11], [sflag:$0x3] =	stream.indirect_vreg.gather @!p0 [hbm4b:s3+s0], $0x80, v6, vm1, $0xb8;
	[tilespmem:$0x10200] =	vst v63  }
0xeb: {  	s11 =	simm.s32 @!p0 $0x9A00  }
0xec: {  	[tilespmem:s11], [sflag:$0x3] =	stream.indirect_vreg.gather @!p0 [hbm4b:s5+s0], $0x80, v6, vm1, $0xb8;
	[tilespmem:$0x10200] =	vst v63  }
0xed: {  	v6 =	vld @!p0 [tilespmem:s30+$0xFFFFFFE0];
	_ =	sdelay $0x4  }
0xee: {  	v7 =	vshll.u32 @!p0 v6, $0x2  }
0xef: {  	v6 =	vand.u32 @!p0 $0x7, v6;
	v7 =	vand.u32 @!p0 $0xFFFFFFE0, v7  }
0xf0: {  	v6 =	vor.u32 @!p0 v6, v7  }
0xf1: {  	v7 =	vperm.xlane @!p0 v6, v4;
	_ =	sdelay $0x1  }
0xf2: {  	v7 =	vadd.s32 @!p0 v3, v7;
	_ =	sdelay $0x1  }
0xf3: {  	v6 =	vperm.xlane @!p0 v6, v5;
	_ =	sdelay $0x1  }
0xf4: {  	s11 =	simm.s32 @!p0 $0xA200;
	v6 =	vadd.s32 @!p0 v3, v6  }
0xf5: {  	[tilespmem:s11], [sflag:$0x3] =	stream.indirect_vreg.gather @!p0 [hbm4b:s3+s0], $0x80, v7, vm1, $0xb8;
	[tilespmem:$0x10200] =	vst v63  }
0xf6: {  	s11 =	simm.s32 @!p0 $0xAA00  }
0xf7: {  	[tilespmem:s11], [sflag:$0x3] =	stream.indirect_vreg.gather @!p0 [hbm4b:s5+s0], $0x80, v7, vm1, $0xb8;
	[tilespmem:$0x10200] =	vst v63  }
0xf8: {  	s11 =	simm.s32 @!p0 $0xB200  }
0xf9: {  	[tilespmem:s11], [sflag:$0x3] =	stream.indirect_vreg.gather @!p0 [hbm4b:s3+s0], $0x80, v6, vm1, $0xb8;
	[tilespmem:$0x10200] =	vst v63  }
0xfa: {  	s11 =	simm.s32 @!p0 $0xBA00  }
0xfb: {  	[tilespmem:s11], [sflag:$0x3] =	stream.indirect_vreg.gather @!p0 [hbm4b:s5+s0], $0x80, v6, vm1, $0xb8;
	[tilespmem:$0x10200] =	vst v63  }
0xfc: {  	_ =	swait.ge [sflag:s26], $0x4000  }
0xfd: {  	[sflag:s26] =	ssyncset.done $0x0  }
0xfe: {  	s1 =	sadd.s32 $0x1800, s1;
	[sflag:s26] =	ssyncadd.s32 $0xFFFFC000  }
0xff: {  	[hbm4b:s1+s2] =	stream.linear.scatter [tilespmem:s10], [sflag:$0x8], $0x4000, $0x38;
	[tilespmem:$0x10200] =	vst v63  }
0x100: {  	_ =	swait.ge [sflag:s28], $0x4000  }
0x101: {  	[sflag:s28] =	ssyncset.done $0x0  }
0x102: {  	[sflag:s28] =	ssyncadd.s32 $0xFFFFC000  }
0x103: {  	v6 =	vld @!p0 [tilespmem:s30+$0xFFFFFFF0];
	_ =	sdelay $0x4  }
0x104: {  	v7 =	vshll.u32 @!p0 v6, $0x2  }
0x105: {  	v6 =	vand.u32 @!p0 $0x7, v6;
	v7 =	vand.u32 @!p0 $0xFFFFFFE0, v7  }
0x106: {  	v6 =	vor.u32 @!p0 v6, v7  }
0x107: {  	v7 =	vperm.xlane @!p0 v6, v4;
	_ =	sdelay $0x1  }
0x108: {  	v7 =	vadd.s32 @!p0 v3, v7;
	_ =	sdelay $0x1  }
0x109: {  	v6 =	vperm.xlane @!p0 v6, v5;
	_ =	sdelay $0x1  }
0x10a: {  	s1 =	simm.s32 @!p0 $0xC200;
	v6 =	vadd.s32 @!p0 v3, v6  }
0x10b: {  	[tilespmem:s1], [sflag:$0x4] =	stream.indirect_vreg.gather @!p0 [hbm4b:s3+s0], $0x80, v7, vm1, $0xb8;
	[tilespmem:$0x10200] =	vst v63  }
0x10c: {  	s1 =	simm.s32 @!p0 $0xCA00  }
0x10d: {  	[tilespmem:s1], [sflag:$0x4] =	stream.indirect_vreg.gather @!p0 [hbm4b:s5+s0], $0x80, v7, vm1, $0xb8;
	[tilespmem:$0x10200] =	vst v63  }
0x10e: {  	s1 =	simm.s32 @!p0 $0xD200  }
0x10f: {  	[tilespmem:s1], [sflag:$0x4] =	stream.indirect_vreg.gather @!p0 [hbm4b:s3+s0], $0x80, v6, vm1, $0xb8;
	[tilespmem:$0x10200] =	vst v63  }
0x110: {  	s1 =	simm.s32 @!p0 $0xDA00  }
0x111: {  	[tilespmem:s1], [sflag:$0x4] =	stream.indirect_vreg.gather @!p0 [hbm4b:s5+s0], $0x80, v6, vm1, $0xb8;
	[tilespmem:$0x10200] =	vst v63  }
0x112: {  	v6 =	vld @!p0 [tilespmem:s30+$0x0];
	_ =	sdelay $0x4  }
0x113: {  	v7 =	vshll.u32 @!p0 v6, $0x2  }
0x114: {  	v6 =	vand.u32 @!p0 $0x7, v6;
	v7 =	vand.u32 @!p0 $0xFFFFFFE0, v7  }
0x115: {  	v6 =	vor.u32 @!p0 v6, v7  }
0x116: {  	v4 =	vperm.xlane @!p0 v6, v4;
	_ =	sdelay $0x1  }
0x117: {  	v4 =	vadd.s32 @!p0 v3, v4;
	_ =	sdelay $0x2  }
0x118: {  	s31 =	sadd.s32 @!p0 $0x2000, s31;
	v5 =	vperm.xlane @!p0 v6, v5  }
0x119: {  	p1 =	sne.s32 @!p0 s31, $0x8000;
	s1 =	simm.s32 @!p0 $0xE200  }
0x11a: {  	v3 =	vadd.s32 @!p0 v3, v5;
	[tilespmem:s1], [sflag:$0x4] =	stream.indirect_vreg.gather @!p0 [hbm4b:s3+s0], $0x80, v4, vm1, $0xb8;
	[tilespmem:$0x10200] =	vst v63  }
0x11b: {  	p1 =	por p0, !p1;
	s1 =	simm.s32 @!p0 $0xEA00  }
0x11c: {  	[tilespmem:s1], [sflag:$0x4] =	stream.indirect_vreg.gather @!p0 [hbm4b:s5+s0], $0x80, v4, vm1, $0xb8;
	[tilespmem:$0x10200] =	vst v63  }
.Ltmp0:
0x11d: {  	_ = 	snop;
	(pc) =	sbr.rel @!p1 .LBB2_2-.Ltmp0, $4  }
0x11e: {  	s1 =	simm.s32 @!p0 $0xF200  }
0x11f: {  	[tilespmem:s1], [sflag:$0x4] =	stream.indirect_vreg.gather @!p0 [hbm4b:s3+s0], $0x80, v3, vm1, $0xb8;
	[tilespmem:$0x10200] =	vst v63  }
0x120: {  	s30 =	sadd.s32 @!p0 $0x80, s30;
	s1 =	simm.s32 @!p0 $0xFA00  }
0x121: {  	[tilespmem:s1], [sflag:$0x4] =	stream.indirect_vreg.gather @!p0 [hbm4b:s5+s0], $0x80, v3, vm1, $0xb8;
	[tilespmem:$0x10200] =	vst v63  }
0x122: {  	s29 =	sadd.s32 $0x1, s29  }
0x123: {  	p0 =	sne.s32 s29, s6  }
.Ltmp1:
0x124: {  	_ = 	snop;
	(pc) =	sbr.rel @p0 .LBB2_1-.Ltmp1, $1  }
0x125: {  	_ =	sdelay $0x3  }
0x126: {  	_ =	sfence.sel $0x180000  }
0x127: {  	[bflag:$0x0] =	sbarrier.arrive $0xFFFF  }
0x128: {  	_ =	strace $0x90000047  }
0x129: {  	s0 =	stileid.u32;
	[bflag:$0x2] =	sbarrier.arrive $0xFFFF  }
0x12a: {  	p0 =	sne.s32 s0, $0x0;
	s0 =	rddreg [dreg:$0x1]  }
0x12b: {  	s0 =	sadd.s32 @!p0 $0x100000, s0  }
0x12c: {  	[sflag:s0] =	ssyncadd.tile.s32 @!p0 $0x1;
	_ =	shalt  }
.Lfunc_end2:
_tile_overlayer_lowered:
.L_overlay_start_2:
0x12d: {  	(tag) =	ssettag $0x2  }
0x12e: {  	s0 =	rddreg [dreg:$0x0];
	s2 =	stileid.u32  }
0x12f: {  	s1 =	rddreg [dreg:$0x1];
	p0 =	sne.s32 s2, $0x0  }
0x130: {  	s3 =	rddreg [dreg:$0x2];
	[bflag:$0x3] =	sbarrier.arrive $0xFFFF;
	s2 =	simm.s32 @!p0 $0x1C09  }
0x131: {  	[timem:s3], [sflag:s2] =	dma.local @!p0 [hbm:s0], s1  }
0x132: {  	s0 =	simm.s32 @!p0 $0x9  }
0x133: {  	_ =	swait.ge @!p0 [sflag:s0], s1  }
0x134: {  	s1 =	ssub.s32 @!p0 $0x0, s1;
	[sflag:s0] =	ssyncset.done @!p0 $0x0  }
0x135: {  	[sflag:s0] =	ssyncadd.s32 @!p0 s1  }
0x136: {  	[bflag:$0x3] =	sbarrier.arrive $0xFFFF  }
0x137: {  	_ =	shalt  }

</sc_bundles>
